<compile_context>
chip_gen: v7x
topology: tpu7x:2x2x1
jax: 0.10.2.dev20260603
libtpu: 0.0.44.dev20260713+nightly
codegen_flags: <defaults>
</compile_context>

<pallas_src>
import functools
import jax
import jax.numpy as jnp
from jax import lax
from jax.experimental import pallas as pl
from jax.experimental.pallas import tpu as pltpu
from jax.experimental.pallas import tpu_sc as plsc

_N_POINTS = 100000
_B, _H, _W, _K = 4, 384, 384, 8
_M = _B * _H * _W
_N_CH = 4
_G = 8
_PPT = _M // _G
_RPB = 2
_PBLK = _RPB * _W
_NBLK = _PPT // _PBLK


def _build_sc_kernel():
    mesh = plsc.VectorSubcoreMesh(core_axis_name="c", subcore_axis_name="s")

    @functools.partial(
        pl.kernel,
        out_type=jax.ShapeDtypeStruct((_B, _H, 3, _N_CH, 128), jnp.float32),
        mesh=mesh,
        scratch_types=[
            pltpu.VMEM((_N_POINTS,), jnp.float32),
            pltpu.VMEM((_RPB, 3, _K, 128), jnp.float32),
            pltpu.VMEM((_RPB, 3, _K, 128), jnp.float32),
            pltpu.VMEM((_RPB, 3, _K, 128), jnp.float32),
            pltpu.VMEM((_RPB, 3, _K, 128), jnp.float32),
            pltpu.VMEM((_RPB, 3, 128), jnp.float32),
            pltpu.VMEM((_RPB, 3, 128), jnp.float32),
            pltpu.VMEM((16,), jnp.float32),
            pltpu.SemaphoreType.DMA,
            pltpu.SemaphoreType.DMA,
            pltpu.SemaphoreType.DMA,
            pltpu.SemaphoreType.DMA,
            pltpu.SemaphoreType.DMA,
            pltpu.SemaphoreType.DMA,
        ],
        compiler_params=pltpu.CompilerParams(
            needs_layout_passes=False, use_tc_tiling_on_sc=False),
    )
    def gauss_sc(table_flat, dii_t, c16_hbm, out_hbm, col, dbuf0, dbuf1,
                 ibuf0, ibuf1, obuf0, obuf1, cvm, sd0, sd1, si0, si1,
                 so0, so1):
        wid = lax.axis_index("s") * 2 + lax.axis_index("c")
        ch = wid % _N_CH
        g = wid // _N_CH
        b = g // 2
        h0 = (g % 2) * (_PPT // _W)

        dbufs, ibufs, obufs = (dbuf0, dbuf1), (ibuf0, ibuf1), (obuf0, obuf1)
        sds, sis, sos = (sd0, sd1), (si0, si1), (so0, so1)

        def d_src(blk):
            return dii_t.at[b, 0, pl.ds(h0 + blk * _RPB, _RPB), :, :, :]

        def i_src(blk):
            return dii_t.at[b, 1, pl.ds(h0 + blk * _RPB, _RPB), :, :, :]

        def o_dst(blk):
            return out_hbm.at[b, pl.ds(h0 + blk * _RPB, _RPB), :, ch, :]

        pltpu.sync_copy(table_flat.at[pl.ds(ch * _N_POINTS, _N_POINTS)], col)
        pltpu.sync_copy(c16_hbm, cvm)
        cv = cvm[...]
        scale = -0.5 / (cv * cv)
        zero = jnp.zeros((16,), jnp.float32)

        def compute(dbuf, ibuf, obuf):
            @plsc.parallel_loop(0, _PBLK, 16, unroll=2)
            def _grp(p0):
                r = jnp.where(p0 >= _W, 1, 0)
                w0 = p0 - r * _W
                wt = lax.shift_right_logical(w0, 7)
                wl = lax.bitwise_and(w0, 127)
                ds = zero
                acc = zero
                for k in range(_K):
                    dk = dbuf[r, wt, k, pl.ds(wl, 16)]
                    w = jnp.exp(dk * dk * scale)
                    ds = ds + w
                    ik = ibuf[r, wt, k, pl.ds(wl, 16)].astype(jnp.int32)
                    xk = plsc.load_gather(col, [ik])
                    acc = acc + w * xk
                res = acc / (ds + 0.001)
                obuf[r, wt, pl.ds(wl, 16)] = jnp.where(ds > 0, res, 0.0)

        for s in range(2):
            pltpu.async_copy(d_src(s), dbufs[s], sds[s])
            pltpu.async_copy(i_src(s), ibufs[s], sis[s])

        def outer(i, carry):
            for s in range(2):
                blk = i * 2 + s
                pltpu.make_async_copy(d_src(blk), dbufs[s], sds[s]).wait()
                pltpu.make_async_copy(i_src(blk), ibufs[s], sis[s]).wait()

                @pl.when(blk >= 2)
                def _():
                    pltpu.make_async_copy(obufs[s], o_dst(blk - 2),
                                          sos[s]).wait()

                compute(dbufs[s], ibufs[s], obufs[s])
                pltpu.async_copy(obufs[s], o_dst(blk), sos[s])

                @pl.when(blk + 2 < _NBLK)
                def _():
                    pltpu.async_copy(d_src(blk + 2), dbufs[s], sds[s])
                    pltpu.async_copy(i_src(blk + 2), ibufs[s], sis[s])
            return carry

        lax.fori_loop(0, _NBLK // 2, outer, 0)
        pltpu.make_async_copy(obuf0, o_dst(_NBLK - 2), so0).wait()
        pltpu.make_async_copy(obuf1, o_dst(_NBLK - 1), so1).wait()

    return gauss_sc


_GAUSS_SC = _build_sc_kernel()


@jax.jit
def kernel(spatial_rgb, dist_and_index_list, c):
    table_flat = spatial_rgb.T.reshape(-1)
    dii_t = jnp.transpose(
        dist_and_index_list.reshape(_B, 2, _H, 3, 128, _K),
        (0, 1, 2, 3, 5, 4))
    c16 = jnp.broadcast_to(c.reshape(1), (16,)).astype(jnp.float32)
    out6 = _GAUSS_SC(table_flat, dii_t, c16)
    return jnp.transpose(out6, (0, 1, 2, 4, 3)).reshape(_B, _H, _W, _N_CH)

# --- scband reference (transcript-rebuilt; emitter-appended) ---
"""Pipeline reference for scband-gauss-get-r-10685878633072 (READ-ONLY COPY).

The authoritative reference and input builder live on the scoring server;
editing this copy changes nothing except your own understanding.
"""

import jax, jax.numpy as jnp
import numpy as np

N_POINTS = 100000
B, H, W, K = 4, 384, 384, 8
C_VAL = 50000.0

def setup_inputs(seed: int = 0) -> dict:
    key = jax.random.key(seed)
    k1, k2 = jax.random.split(key)
    spatial_rgb = jax.random.uniform(k1, (N_POINTS, 4), dtype=jnp.float32)
    # channel 0: distances, channel 1: point indices (stored as float, cast to long in forward)
    dist_and_index_list = jax.random.randint(k2, (B, 2, H, W, K), 0, N_POINTS).astype(jnp.float32)
    c = jnp.array([C_VAL], dtype=jnp.float32)  # non-trainable parameter
    return {"spatial_rgb": spatial_rgb, "dist_and_index_list": dist_and_index_list, "c": c}

def reference(spatial_rgb, dist_and_index_list, c):
    s = spatial_rgb.reshape(-1, 4)
    d = dist_and_index_list[:, 0, :, :, :]                      # [B,H,W,K]
    idx = dist_and_index_list[:, 1, :, :, :].astype(jnp.int32)  # [B,H,W,K]
    b, h, w, k = idx.shape
    # torch s.gather(dim=0, index=broadcast(idx, (M,4))) == row gather s[idx]
    x = jnp.take(s, idx.reshape(-1), axis=0).reshape(b, h, w, k, 4)
    dd = jnp.exp(-(jnp.square(d / c) / 2.0))[..., None]         # [B,H,W,K,1]
    ds = jnp.sum(dd, axis=-2)[..., None]                        # [B,H,W,1,1]
    dq = ds + 0.001
    x = jnp.where(ds > 0, x * dd / dq, jnp.zeros_like(x))
    x = jnp.sum(x, axis=-2)                                     # [B,H,W,4]
    # epsilon_3d min/max tracking in the torch module is a python-side side effect
    # that does not change the returned tensor; omitted here.
    return x

if __name__ == "__main__":
    import jax
    _d = setup_inputs()
    print(jax.jit(kernel)(*tuple(_d.values())))

</pallas_src>

<mosaic_0001>
#map = affine_map<(d0, d1) -> (0)>
#map1 = affine_map<(d0, d1) -> (0, 0, 0, 0, 0, 0)>
#map2 = affine_map<(d0, d1) -> (0, 0, 0, 0, 0)>
module attributes {stable_mosaic.version = 14 : i64} {
  func.func @gauss_sc(%arg0: i32, %arg1: i32, %arg2: memref<400000xf32, #tpu.memory_space<hbm>>, %arg3: memref<4x2x384x3x8x128xf32, #tpu.memory_space<hbm>>, %arg4: memref<16xf32, #tpu.memory_space<hbm>>, %arg5: memref<4x384x3x4x128xf32, #tpu.memory_space<hbm>>, %arg6: memref<100000xf32, #tpu.memory_space<vmem>>, %arg7: memref<2x3x8x128xf32, #tpu.memory_space<vmem>>, %arg8: memref<2x3x8x128xf32, #tpu.memory_space<vmem>>, %arg9: memref<2x3x8x128xf32, #tpu.memory_space<vmem>>, %arg10: memref<2x3x8x128xf32, #tpu.memory_space<vmem>>, %arg11: memref<2x3x128xf32, #tpu.memory_space<vmem>>, %arg12: memref<2x3x128xf32, #tpu.memory_space<vmem>>, %arg13: memref<16xf32, #tpu.memory_space<vmem>>, %arg14: memref<!tpu.dma_semaphore, #tpu.memory_space<semaphore_mem>>, %arg15: memref<!tpu.dma_semaphore, #tpu.memory_space<semaphore_mem>>, %arg16: memref<!tpu.dma_semaphore, #tpu.memory_space<semaphore_mem>>, %arg17: memref<!tpu.dma_semaphore, #tpu.memory_space<semaphore_mem>>, %arg18: memref<!tpu.dma_semaphore, #tpu.memory_space<semaphore_mem>>, %arg19: memref<!tpu.dma_semaphore, #tpu.memory_space<semaphore_mem>>) attributes {dimension_semantics = [#tpu.dimension_semantics<core_parallel>, #tpu.dimension_semantics<subcore_parallel>], iteration_bounds = array<i64: 2, 16>, scalar_prefetch = 0 : i64, scratch_operands = 14 : i64, tpu.core_type = #tpu.core_type<sc_vector_subcore>, window_params = [{transform_indices = #map}, {transform_indices = #map1}, {transform_indices = #map}, {transform_indices = #map2}]} {
    %mul3A = arith.constant 2 : i32
    %mul3A_0 = arith.muli %arg1, %mul3A : i32
    %add3A = arith.addi %mul3A_0, %arg0 : i32
    %jit3A = arith.constant 4 : i32
    %eq3A = arith.constant 0 : i32
    %eq3A_1 = arith.cmpi eq, %jit3A, %eq3A : i32
    %jit3A_2 = arith.constant 1 : i32
    %select_n3A = arith.select %eq3A_1, %jit3A_2, %jit3A : i32
    %rem3A = arith.remsi %add3A, %select_n3A : i32
    %ne3A = arith.constant 0 : i32
    %ne3A_3 = arith.cmpi ne, %rem3A, %ne3A : i32
    %lt3A = arith.constant 0 : i32
    %lt3A_4 = arith.cmpi slt, %rem3A, %lt3A : i32
    %lt3A_5 = arith.constant 0 : i32
    %lt3A_6 = arith.cmpi slt, %select_n3A, %lt3A_5 : i32
    %ne3A_7 = arith.xori %lt3A_4, %lt3A_6 : i1
    %and3A = arith.andi %ne3A_7, %ne3A_3 : i1
    %add3A_8 = arith.addi %rem3A, %select_n3A : i32
    %select_n3A_9 = arith.select %and3A, %add3A_8, %rem3A : i32
    %jit3A_10 = arith.constant 4 : i32
    %div3A = arith.divsi %add3A, %jit3A_10 : i32
    %sign3A = arith.constant 0 : i32
    %sign3A_11 = arith.cmpi sgt, %add3A, %sign3A : i32
    %sign3A_12 = arith.extui %sign3A_11 : i1 to i32
    %sign3A_13 = arith.constant 0 : i32
    %sign3A_14 = arith.cmpi slt, %add3A, %sign3A_13 : i32
    %sign3A_15 = arith.extui %sign3A_14 : i1 to i32
    %sign3A_16 = arith.subi %sign3A_12, %sign3A_15 : i32
    %sign3A_17 = arith.constant 0 : i32
    %sign3A_18 = arith.cmpi sgt, %jit3A_10, %sign3A_17 : i32
    %sign3A_19 = arith.extui %sign3A_18 : i1 to i32
    %sign3A_20 = arith.constant 0 : i32
    %sign3A_21 = arith.cmpi slt, %jit3A_10, %sign3A_20 : i32
    %sign3A_22 = arith.extui %sign3A_21 : i1 to i32
    %sign3A_23 = arith.subi %sign3A_19, %sign3A_22 : i32
    %ne3A_24 = arith.cmpi ne, %sign3A_16, %sign3A_23 : i32
    %rem3A_25 = arith.remsi %add3A, %jit3A_10 : i32
    %ne3A_26 = arith.constant 0 : i32
    %ne3A_27 = arith.cmpi ne, %rem3A_25, %ne3A_26 : i32
    %and3A_28 = arith.andi %ne3A_24, %ne3A_27 : i1
    %sub3A = arith.constant 1 : i32
    %sub3A_29 = arith.subi %div3A, %sub3A : i32
    %select_n3A_30 = arith.select %and3A_28, %sub3A_29, %div3A : i32
    %jit3A_31 = arith.constant 2 : i32
    %div3A_32 = arith.divsi %select_n3A_30, %jit3A_31 : i32
    %sign3A_33 = arith.constant 0 : i32
    %sign3A_34 = arith.cmpi sgt, %select_n3A_30, %sign3A_33 : i32
    %sign3A_35 = arith.extui %sign3A_34 : i1 to i32
    %sign3A_36 = arith.constant 0 : i32
    %sign3A_37 = arith.cmpi slt, %select_n3A_30, %sign3A_36 : i32
    %sign3A_38 = arith.extui %sign3A_37 : i1 to i32
    %sign3A_39 = arith.subi %sign3A_35, %sign3A_38 : i32
    %sign3A_40 = arith.constant 0 : i32
    %sign3A_41 = arith.cmpi sgt, %jit3A_31, %sign3A_40 : i32
    %sign3A_42 = arith.extui %sign3A_41 : i1 to i32
    %sign3A_43 = arith.constant 0 : i32
    %sign3A_44 = arith.cmpi slt, %jit3A_31, %sign3A_43 : i32
    %sign3A_45 = arith.extui %sign3A_44 : i1 to i32
    %sign3A_46 = arith.subi %sign3A_42, %sign3A_45 : i32
    %ne3A_47 = arith.cmpi ne, %sign3A_39, %sign3A_46 : i32
    %rem3A_48 = arith.remsi %select_n3A_30, %jit3A_31 : i32
    %ne3A_49 = arith.constant 0 : i32
    %ne3A_50 = arith.cmpi ne, %rem3A_48, %ne3A_49 : i32
    %and3A_51 = arith.andi %ne3A_47, %ne3A_50 : i1
    %sub3A_52 = arith.constant 1 : i32
    %sub3A_53 = arith.subi %div3A_32, %sub3A_52 : i32
    %select_n3A_54 = arith.select %and3A_51, %sub3A_53, %div3A_32 : i32
    %jit3A_55 = arith.constant 2 : i32
    %eq3A_56 = arith.constant 0 : i32
    %eq3A_57 = arith.cmpi eq, %jit3A_55, %eq3A_56 : i32
    %jit3A_58 = arith.constant 1 : i32
    %select_n3A_59 = arith.select %eq3A_57, %jit3A_58, %jit3A_55 : i32
    %rem3A_60 = arith.remsi %select_n3A_30, %select_n3A_59 : i32
    %ne3A_61 = arith.constant 0 : i32
    %ne3A_62 = arith.cmpi ne, %rem3A_60, %ne3A_61 : i32
    %lt3A_63 = arith.constant 0 : i32
    %lt3A_64 = arith.cmpi slt, %rem3A_60, %lt3A_63 : i32
    %lt3A_65 = arith.constant 0 : i32
    %lt3A_66 = arith.cmpi slt, %select_n3A_59, %lt3A_65 : i32
    %ne3A_67 = arith.xori %lt3A_64, %lt3A_66 : i1
    %and3A_68 = arith.andi %ne3A_67, %ne3A_62 : i1
    %add3A_69 = arith.addi %rem3A_60, %select_n3A_59 : i32
    %select_n3A_70 = arith.select %and3A_68, %add3A_69, %rem3A_60 : i32
    %mul3A_71 = arith.constant 192 : i32
    %mul3A_72 = arith.muli %select_n3A_70, %mul3A_71 : i32
    %mul3A_73 = arith.constant 100000 : i32
    %mul3A_74 = arith.muli %select_n3A_9, %mul3A_73 : i32
    "tpu.region"() ({
      %run_scoped3A = tpu.sem_alloc : memref<!tpu.dma_semaphore, #tpu.memory_space<semaphore_mem>>
      %dma_start3A_156 = tpu.memref_slice %arg2[%mul3A_74] : memref<400000xf32, #tpu.memory_space<hbm>> -> memref<100000xf32, #tpu.memory_space<hbm>>
      %dma_start3A_157 = tpu.memref_slice %arg2[%mul3A_74] : memref<400000xf32, #tpu.memory_space<hbm>> -> memref<100000xf32, #tpu.memory_space<hbm>>
      tpu.enqueue_dma source(%dma_start3A_157 : memref<100000xf32, #tpu.memory_space<hbm>>) target(%arg6 : memref<100000xf32, #tpu.memory_space<vmem>>) target_semaphore(%run_scoped3A : memref<!tpu.dma_semaphore, #tpu.memory_space<semaphore_mem>>)
      %dma_wait3A_158 = tpu.memref_slice %arg2[%mul3A_74] : memref<400000xf32, #tpu.memory_space<hbm>> -> memref<100000xf32, #tpu.memory_space<hbm>>
      %dma_wait3A_159 = tpu.memref_slice %arg2[%mul3A_74] : memref<400000xf32, #tpu.memory_space<hbm>> -> memref<100000xf32, #tpu.memory_space<hbm>>
      tpu.wait_dma2 semaphore(%run_scoped3A : memref<!tpu.dma_semaphore, #tpu.memory_space<semaphore_mem>>) src(%dma_wait3A_159 : memref<100000xf32, #tpu.memory_space<hbm>>) dst(%arg6 : memref<100000xf32, #tpu.memory_space<vmem>>)
      tpu.yield
    }) : () -> ()
    "tpu.region"() ({
      %run_scoped3A = tpu.sem_alloc : memref<!tpu.dma_semaphore, #tpu.memory_space<semaphore_mem>>
      tpu.enqueue_dma source(%arg4 : memref<16xf32, #tpu.memory_space<hbm>>) target(%arg13 : memref<16xf32, #tpu.memory_space<vmem>>) target_semaphore(%run_scoped3A : memref<!tpu.dma_semaphore, #tpu.memory_space<semaphore_mem>>)
      tpu.wait_dma2 semaphore(%run_scoped3A : memref<!tpu.dma_semaphore, #tpu.memory_space<semaphore_mem>>) src(%arg4 : memref<16xf32, #tpu.memory_space<hbm>>) dst(%arg13 : memref<16xf32, #tpu.memory_space<vmem>>)
      tpu.yield
    }) : () -> ()
    %get3A = arith.constant 0 : index
    %get3A_75 = tpu.vector_load %arg13[%get3A] {strides = array<i32>} : memref<16xf32, #tpu.memory_space<vmem>>, vector<16xf32>,
    %mul3A_76 = arith.mulf %get3A_75, %get3A_75 : vector<16xf32>
    %div3A_77 = arith.constant -5.000000e-01 : f32
    %div3A_78 = vector.broadcast %div3A_77 : f32 to vector<16xf32>
    %div3A_79 = arith.divf %div3A_78, %mul3A_76 : vector<16xf32>
    %broadcast_in_dim3A = arith.constant 0.000000e+00 : f32
    %broadcast_in_dim3A_80 = vector.broadcast %broadcast_in_dim3A : f32 to vector<16xf32>
    %add3A_81 = arith.constant 0 : i32
    %add3A_82 = arith.addi %mul3A_72, %add3A_81 : i32
    %dma_start3A = arith.constant 0 : i32
    %dma_start3A_83 = arith.constant 0 : i32
    %dma_start3A_84 = arith.constant 0 : i32
    %dma_start3A_85 = arith.constant 0 : i32
    %dma_start3A_86 = tpu.memref_slice %arg3[%select_n3A_54, %dma_start3A, %add3A_82, %dma_start3A_83, %dma_start3A_84, %dma_start3A_85] : memref<4x2x384x3x8x128xf32, #tpu.memory_space<hbm>> -> memref<1x1x2x3x8x128xf32, #tpu.memory_space<hbm>>
    %dma_start3A_87 = tpu.memref_squeeze %dma_start3A_86 : memref<1x1x2x3x8x128xf32, #tpu.memory_space<hbm>> -> memref<2x3x8x128xf32, #tpu.memory_space<hbm>>
    %dma_start3A_88 = arith.constant 0 : i32
    %dma_start3A_89 = arith.constant 0 : i32
    %dma_start3A_90 = arith.constant 0 : i32
    %dma_start3A_91 = tpu.memref_slice %arg3[%select_n3A_54, %dma_start3A, %add3A_82, %dma_start3A_88, %dma_start3A_89, %dma_start3A_90] : memref<4x2x384x3x8x128xf32, #tpu.memory_space<hbm>> -> memref<1x1x2x3x8x128xf32, #tpu.memory_space<hbm>>
    %dma_start3A_92 = tpu.memref_squeeze %dma_start3A_91 : memref<1x1x2x3x8x128xf32, #tpu.memory_space<hbm>> -> memref<2x3x8x128xf32, #tpu.memory_space<hbm>>
    tpu.enqueue_dma source(%dma_start3A_92 : memref<2x3x8x128xf32, #tpu.memory_space<hbm>>) target(%arg7 : memref<2x3x8x128xf32, #tpu.memory_space<vmem>>) target_semaphore(%arg14 : memref<!tpu.dma_semaphore, #tpu.memory_space<semaphore_mem>>)
    %add3A_93 = arith.constant 0 : i32
    %add3A_94 = arith.addi %mul3A_72, %add3A_93 : i32
    %dma_start3A_95 = arith.constant 1 : i32
    %dma_start3A_96 = arith.constant 0 : i32
    %dma_start3A_97 = arith.constant 0 : i32
    %dma_start3A_98 = arith.constant 0 : i32
    %dma_start3A_99 = tpu.memref_slice %arg3[%select_n3A_54, %dma_start3A_95, %add3A_94, %dma_start3A_96, %dma_start3A_97, %dma_start3A_98] : memref<4x2x384x3x8x128xf32, #tpu.memory_space<hbm>> -> memref<1x1x2x3x8x128xf32, #tpu.memory_space<hbm>>
    %dma_start3A_100 = tpu.memref_squeeze %dma_start3A_99 : memref<1x1x2x3x8x128xf32, #tpu.memory_space<hbm>> -> memref<2x3x8x128xf32, #tpu.memory_space<hbm>>
    %dma_start3A_101 = arith.constant 0 : i32
    %dma_start3A_102 = arith.constant 0 : i32
    %dma_start3A_103 = arith.constant 0 : i32
    %dma_start3A_104 = tpu.memref_slice %arg3[%select_n3A_54, %dma_start3A_95, %add3A_94, %dma_start3A_101, %dma_start3A_102, %dma_start3A_103] : memref<4x2x384x3x8x128xf32, #tpu.memory_space<hbm>> -> memref<1x1x2x3x8x128xf32, #tpu.memory_space<hbm>>
    %dma_start3A_105 = tpu.memref_squeeze %dma_start3A_104 : memref<1x1x2x3x8x128xf32, #tpu.memory_space<hbm>> -> memref<2x3x8x128xf32, #tpu.memory_space<hbm>>
    tpu.enqueue_dma source(%dma_start3A_105 : memref<2x3x8x128xf32, #tpu.memory_space<hbm>>) target(%arg9 : memref<2x3x8x128xf32, #tpu.memory_space<vmem>>) target_semaphore(%arg16 : memref<!tpu.dma_semaphore, #tpu.memory_space<semaphore_mem>>)
    %add3A_106 = arith.constant 2 : i32
    %add3A_107 = arith.addi %mul3A_72, %add3A_106 : i32
    %dma_start3A_108 = arith.constant 0 : i32
    %dma_start3A_109 = arith.constant 0 : i32
    %dma_start3A_110 = arith.constant 0 : i32
    %dma_start3A_111 = arith.constant 0 : i32
    %dma_start3A_112 = tpu.memref_slice %arg3[%select_n3A_54, %dma_start3A_108, %add3A_107, %dma_start3A_109, %dma_start3A_110, %dma_start3A_111] : memref<4x2x384x3x8x128xf32, #tpu.memory_space<hbm>> -> memref<1x1x2x3x8x128xf32, #tpu.memory_space<hbm>>
    %dma_start3A_113 = tpu.memref_squeeze %dma_start3A_112 : memref<1x1x2x3x8x128xf32, #tpu.memory_space<hbm>> -> memref<2x3x8x128xf32, #tpu.memory_space<hbm>>
    %dma_start3A_114 = arith.constant 0 : i32
    %dma_start3A_115 = arith.constant 0 : i32
    %dma_start3A_116 = arith.constant 0 : i32
    %dma_start3A_117 = tpu.memref_slice %arg3[%select_n3A_54, %dma_start3A_108, %add3A_107, %dma_start3A_114, %dma_start3A_115, %dma_start3A_116] : memref<4x2x384x3x8x128xf32, #tpu.memory_space<hbm>> -> memref<1x1x2x3x8x128xf32, #tpu.memory_space<hbm>>
    %dma_start3A_118 = tpu.memref_squeeze %dma_start3A_117 : memref<1x1x2x3x8x128xf32, #tpu.memory_space<hbm>> -> memref<2x3x8x128xf32, #tpu.memory_space<hbm>>
    tpu.enqueue_dma source(%dma_start3A_118 : memref<2x3x8x128xf32, #tpu.memory_space<hbm>>) target(%arg8 : memref<2x3x8x128xf32, #tpu.memory_space<vmem>>) target_semaphore(%arg15 : memref<!tpu.dma_semaphore, #tpu.memory_space<semaphore_mem>>)
    %add3A_119 = arith.constant 2 : i32
    %add3A_120 = arith.addi %mul3A_72, %add3A_119 : i32
    %dma_start3A_121 = arith.constant 1 : i32
    %dma_start3A_122 = arith.constant 0 : i32
    %dma_start3A_123 = arith.constant 0 : i32
    %dma_start3A_124 = arith.constant 0 : i32
    %dma_start3A_125 = tpu.memref_slice %arg3[%select_n3A_54, %dma_start3A_121, %add3A_120, %dma_start3A_122, %dma_start3A_123, %dma_start3A_124] : memref<4x2x384x3x8x128xf32, #tpu.memory_space<hbm>> -> memref<1x1x2x3x8x128xf32, #tpu.memory_space<hbm>>
    %dma_start3A_126 = tpu.memref_squeeze %dma_start3A_125 : memref<1x1x2x3x8x128xf32, #tpu.memory_space<hbm>> -> memref<2x3x8x128xf32, #tpu.memory_space<hbm>>
    %dma_start3A_127 = arith.constant 0 : i32
    %dma_start3A_128 = arith.constant 0 : i32
    %dma_start3A_129 = arith.constant 0 : i32
    %dma_start3A_130 = tpu.memref_slice %arg3[%select_n3A_54, %dma_start3A_121, %add3A_120, %dma_start3A_127, %dma_start3A_128, %dma_start3A_129] : memref<4x2x384x3x8x128xf32, #tpu.memory_space<hbm>> -> memref<1x1x2x3x8x128xf32, #tpu.memory_space<hbm>>
    %dma_start3A_131 = tpu.memref_squeeze %dma_start3A_130 : memref<1x1x2x3x8x128xf32, #tpu.memory_space<hbm>> -> memref<2x3x8x128xf32, #tpu.memory_space<hbm>>
    tpu.enqueue_dma source(%dma_start3A_131 : memref<2x3x8x128xf32, #tpu.memory_space<hbm>>) target(%arg10 : memref<2x3x8x128xf32, #tpu.memory_space<vmem>>) target_semaphore(%arg17 : memref<!tpu.dma_semaphore, #tpu.memory_space<semaphore_mem>>)
    %scan3A = arith.constant 0 : i32
    %scan3A_132 = arith.constant 0 : i32
    %scan3A_133 = arith.constant 48 : i32
    %scan3A_134 = arith.addi %scan3A_132, %scan3A_133 : i32
    %scan3A_135 = arith.constant 1 : i32
    scf.for %scan3A_156 = %scan3A_132 to %scan3A_134 step %scan3A_135  : i32 {
      %mul3A_157 = arith.constant 2 : i32
      %mul3A_158 = arith.muli %scan3A_156, %mul3A_157 : i32
      %add3A_159 = arith.constant 0 : i32
      %add3A_160 = arith.addi %mul3A_158, %add3A_159 : i32
      %mul3A_161 = arith.constant 2 : i32
      %mul3A_162 = arith.muli %add3A_160, %mul3A_161 : i32
      %add3A_163 = arith.addi %mul3A_72, %mul3A_162 : i32
      %dma_wait3A_164 = arith.constant 0 : i32
      %dma_wait3A_165 = arith.constant 0 : i32
      %dma_wait3A_166 = arith.constant 0 : i32
      %dma_wait3A_167 = arith.constant 0 : i32
      %dma_wait3A_168 = tpu.memref_slice %arg3[%select_n3A_54, %dma_wait3A_164, %add3A_163, %dma_wait3A_165, %dma_wait3A_166, %dma_wait3A_167] : memref<4x2x384x3x8x128xf32, #tpu.memory_space<hbm>> -> memref<1x1x2x3x8x128xf32, #tpu.memory_space<hbm>>
      %dma_wait3A_169 = tpu.memref_squeeze %dma_wait3A_168 : memref<1x1x2x3x8x128xf32, #tpu.memory_space<hbm>> -> memref<2x3x8x128xf32, #tpu.memory_space<hbm>>
      %dma_wait3A_170 = arith.constant 0 : i32
      %dma_wait3A_171 = arith.constant 0 : i32
      %dma_wait3A_172 = arith.constant 0 : i32
      %dma_wait3A_173 = tpu.memref_slice %arg3[%select_n3A_54, %dma_wait3A_164, %add3A_163, %dma_wait3A_170, %dma_wait3A_171, %dma_wait3A_172] : memref<4x2x384x3x8x128xf32, #tpu.memory_space<hbm>> -> memref<1x1x2x3x8x128xf32, #tpu.memory_space<hbm>>
      %dma_wait3A_174 = tpu.memref_squeeze %dma_wait3A_173 : memref<1x1x2x3x8x128xf32, #tpu.memory_space<hbm>> -> memref<2x3x8x128xf32, #tpu.memory_space<hbm>>
      tpu.wait_dma2 semaphore(%arg14 : memref<!tpu.dma_semaphore, #tpu.memory_space<semaphore_mem>>) src(%dma_wait3A_174 : memref<2x3x8x128xf32, #tpu.memory_space<hbm>>) dst(%arg7 : memref<2x3x8x128xf32, #tpu.memory_space<vmem>>)
      %mul3A_175 = arith.constant 2 : i32
      %mul3A_176 = arith.muli %add3A_160, %mul3A_175 : i32
      %add3A_177 = arith.addi %mul3A_72, %mul3A_176 : i32
      %dma_wait3A_178 = arith.constant 1 : i32
      %dma_wait3A_179 = arith.constant 0 : i32
      %dma_wait3A_180 = arith.constant 0 : i32
      %dma_wait3A_181 = arith.constant 0 : i32
      %dma_wait3A_182 = tpu.memref_slice %arg3[%select_n3A_54, %dma_wait3A_178, %add3A_177, %dma_wait3A_179, %dma_wait3A_180, %dma_wait3A_181] : memref<4x2x384x3x8x128xf32, #tpu.memory_space<hbm>> -> memref<1x1x2x3x8x128xf32, #tpu.memory_space<hbm>>
      %dma_wait3A_183 = tpu.memref_squeeze %dma_wait3A_182 : memref<1x1x2x3x8x128xf32, #tpu.memory_space<hbm>> -> memref<2x3x8x128xf32, #tpu.memory_space<hbm>>
      %dma_wait3A_184 = arith.constant 0 : i32
      %dma_wait3A_185 = arith.constant 0 : i32
      %dma_wait3A_186 = arith.constant 0 : i32
      %dma_wait3A_187 = tpu.memref_slice %arg3[%select_n3A_54, %dma_wait3A_178, %add3A_177, %dma_wait3A_184, %dma_wait3A_185, %dma_wait3A_186] : memref<4x2x384x3x8x128xf32, #tpu.memory_space<hbm>> -> memref<1x1x2x3x8x128xf32, #tpu.memory_space<hbm>>
      %dma_wait3A_188 = tpu.memref_squeeze %dma_wait3A_187 : memref<1x1x2x3x8x128xf32, #tpu.memory_space<hbm>> -> memref<2x3x8x128xf32, #tpu.memory_space<hbm>>
      tpu.wait_dma2 semaphore(%arg16 : memref<!tpu.dma_semaphore, #tpu.memory_space<semaphore_mem>>) src(%dma_wait3A_188 : memref<2x3x8x128xf32, #tpu.memory_space<hbm>>) dst(%arg9 : memref<2x3x8x128xf32, #tpu.memory_space<vmem>>)
      %ge3A = arith.constant 2 : i32
      %ge3A_189 = arith.cmpi sge, %add3A_160, %ge3A : i32
      %convert_element_type3A = arith.extui %ge3A_189 : i1 to i32
      %cond3A = arith.constant 0 : i32
      %cond3A_190 = arith.cmpi ne, %convert_element_type3A, %cond3A : i32
      scf.if %cond3A_190 {
        %sub3A_269 = arith.constant 2 : i32
        %sub3A_270 = arith.subi %add3A_160, %sub3A_269 : i32
        %mul3A_271 = arith.constant 2 : i32
        %mul3A_272 = arith.muli %sub3A_270, %mul3A_271 : i32
        %add3A_273 = arith.addi %mul3A_72, %mul3A_272 : i32
        %dma_wait3A_274 = arith.constant 0 : i32
        %dma_wait3A_275 = arith.constant 0 : i32
        %dma_wait3A_276 = tpu.memref_slice %arg5[%select_n3A_54, %add3A_273, %dma_wait3A_274, %select_n3A_9, %dma_wait3A_275] : memref<4x384x3x4x128xf32, #tpu.memory_space<hbm>> -> memref<1x2x3x1x128xf32, #tpu.memory_space<hbm>>
        %dma_wait3A_277 = tpu.memref_squeeze %dma_wait3A_276 : memref<1x2x3x1x128xf32, #tpu.memory_space<hbm>> -> memref<2x3x128xf32, #tpu.memory_space<hbm>>
        %dma_wait3A_278 = arith.constant 0 : i32
        %dma_wait3A_279 = arith.constant 0 : i32
        %dma_wait3A_280 = tpu.memref_slice %arg5[%select_n3A_54, %add3A_273, %dma_wait3A_278, %select_n3A_9, %dma_wait3A_279] : memref<4x384x3x4x128xf32, #tpu.memory_space<hbm>> -> memref<1x2x3x1x128xf32, #tpu.memory_space<hbm>>
        %dma_wait3A_281 = tpu.memref_squeeze %dma_wait3A_280 : memref<1x2x3x1x128xf32, #tpu.memory_space<hbm>> -> memref<2x3x128xf32, #tpu.memory_space<hbm>>
        tpu.wait_dma2 semaphore(%arg18 : memref<!tpu.dma_semaphore, #tpu.memory_space<semaphore_mem>>) src(%arg11 : memref<2x3x128xf32, #tpu.memory_space<vmem>>) dst(%dma_wait3A_281 : memref<2x3x128xf32, #tpu.memory_space<hbm>>)
      } else {
      }
      %parallel_loop3A = arith.constant 0 : i32
      %parallel_loop3A_191 = arith.constant 768 : i32
      %parallel_loop3A_192 = arith.constant 16 : i32
      scf.for %parallel_loop3A_269 = %parallel_loop3A to %parallel_loop3A_191 step %parallel_loop3A_192  : i32 {
        %parallel_loop3A_270 = arith.constant 384 : i32
        %parallel_loop3A_271 = arith.cmpi sge, %parallel_loop3A_269, %parallel_loop3A_270 : i32
        %parallel_loop3A_272 = arith.constant 1 : i32
        %parallel_loop3A_273 = arith.constant 0 : i32
        %parallel_loop3A_274 = arith.select %parallel_loop3A_271, %parallel_loop3A_272, %parallel_loop3A_273 : i32
        %parallel_loop3A_275 = arith.constant 384 : i32
        %parallel_loop3A_276 = arith.muli %parallel_loop3A_274, %parallel_loop3A_275 : i32
        %parallel_loop3A_277 = arith.subi %parallel_loop3A_269, %parallel_loop3A_276 : i32
        %parallel_loop3A_278 = arith.constant 7 : i32
        %parallel_loop3A_279 = arith.shrui %parallel_loop3A_277, %parallel_loop3A_278 : i32
        %parallel_loop3A_280 = arith.constant 127 : i32
        %parallel_loop3A_281 = arith.andi %parallel_loop3A_277, %parallel_loop3A_280 : i32
        %parallel_loop3A_282 = arith.constant 0 : i32
        %parallel_loop3A_283 = arith.index_cast %parallel_loop3A_274 : i32 to index
        %parallel_loop3A_284 = arith.index_cast %parallel_loop3A_279 : i32 to index
        %parallel_loop3A_285 = arith.index_cast %parallel_loop3A_282 : i32 to index
        %parallel_loop3A_286 = arith.index_cast %parallel_loop3A_281 : i32 to index
        %parallel_loop3A_287 = tpu.vector_load %arg7[%parallel_loop3A_283, %parallel_loop3A_284, %parallel_loop3A_285, %parallel_loop3A_286] {strides = array<i32>} : memref<2x3x8x128xf32, #tpu.memory_space<vmem>>, vector<16xf32>,
        %parallel_loop3A_288 = arith.mulf %parallel_loop3A_287, %parallel_loop3A_287 : vector<16xf32>
        %parallel_loop3A_289 = arith.mulf %parallel_loop3A_288, %div3A_79 : vector<16xf32>
        %parallel_loop3A_290 = math.exp %parallel_loop3A_289 : vector<16xf32>
        %parallel_loop3A_291 = arith.addf %broadcast_in_dim3A_80, %parallel_loop3A_290 : vector<16xf32>
        %parallel_loop3A_292 = arith.constant 0 : i32
        %parallel_loop3A_293 = arith.index_cast %parallel_loop3A_274 : i32 to index
        %parallel_loop3A_294 = arith.index_cast %parallel_loop3A_279 : i32 to index
        %parallel_loop3A_295 = arith.index_cast %parallel_loop3A_292 : i32 to index
        %parallel_loop3A_296 = arith.index_cast %parallel_loop3A_281 : i32 to index
        %parallel_loop3A_297 = tpu.vector_load %arg9[%parallel_loop3A_293, %parallel_loop3A_294, %parallel_loop3A_295, %parallel_loop3A_296] {strides = array<i32>} : memref<2x3x8x128xf32, #tpu.memory_space<vmem>>, vector<16xf32>,
        %parallel_loop3A_298 = arith.fptosi %parallel_loop3A_297 : vector<16xf32> to vector<16xi32>
        %parallel_loop3A_299 = tpu.vector_load_idx %arg6[%parallel_loop3A_298] : memref<100000xf32, #tpu.memory_space<vmem>>[vector<16xi32>], vector<16xf32>,
        %parallel_loop3A_300 = arith.mulf %parallel_loop3A_290, %parallel_loop3A_299 : vector<16xf32>
        %parallel_loop3A_301 = arith.addf %broadcast_in_dim3A_80, %parallel_loop3A_300 : vector<16xf32>
        %parallel_loop3A_302 = arith.constant 1 : i32
        %parallel_loop3A_303 = arith.index_cast %parallel_loop3A_274 : i32 to index
        %parallel_loop3A_304 = arith.index_cast %parallel_loop3A_279 : i32 to index
        %parallel_loop3A_305 = arith.index_cast %parallel_loop3A_302 : i32 to index
        %parallel_loop3A_306 = arith.index_cast %parallel_loop3A_281 : i32 to index
        %parallel_loop3A_307 = tpu.vector_load %arg7[%parallel_loop3A_303, %parallel_loop3A_304, %parallel_loop3A_305, %parallel_loop3A_306] {strides = array<i32>} : memref<2x3x8x128xf32, #tpu.memory_space<vmem>>, vector<16xf32>,
        %parallel_loop3A_308 = arith.mulf %parallel_loop3A_307, %parallel_loop3A_307 : vector<16xf32>
        %parallel_loop3A_309 = arith.mulf %parallel_loop3A_308, %div3A_79 : vector<16xf32>
        %parallel_loop3A_310 = math.exp %parallel_loop3A_309 : vector<16xf32>
        %parallel_loop3A_311 = arith.addf %parallel_loop3A_291, %parallel_loop3A_310 : vector<16xf32>
        %parallel_loop3A_312 = arith.constant 1 : i32
        %parallel_loop3A_313 = arith.index_cast %parallel_loop3A_274 : i32 to index
        %parallel_loop3A_314 = arith.index_cast %parallel_loop3A_279 : i32 to index
        %parallel_loop3A_315 = arith.index_cast %parallel_loop3A_312 : i32 to index
        %parallel_loop3A_316 = arith.index_cast %parallel_loop3A_281 : i32 to index
        %parallel_loop3A_317 = tpu.vector_load %arg9[%parallel_loop3A_313, %parallel_loop3A_314, %parallel_loop3A_315, %parallel_loop3A_316] {strides = array<i32>} : memref<2x3x8x128xf32, #tpu.memory_space<vmem>>, vector<16xf32>,
        %parallel_loop3A_318 = arith.fptosi %parallel_loop3A_317 : vector<16xf32> to vector<16xi32>
        %parallel_loop3A_319 = tpu.vector_load_idx %arg6[%parallel_loop3A_318] : memref<100000xf32, #tpu.memory_space<vmem>>[vector<16xi32>], vector<16xf32>,
        %parallel_loop3A_320 = arith.mulf %parallel_loop3A_310, %parallel_loop3A_319 : vector<16xf32>
        %parallel_loop3A_321 = arith.addf %parallel_loop3A_301, %parallel_loop3A_320 : vector<16xf32>
        %parallel_loop3A_322 = arith.constant 2 : i32
        %parallel_loop3A_323 = arith.index_cast %parallel_loop3A_274 : i32 to index
        %parallel_loop3A_324 = arith.index_cast %parallel_loop3A_279 : i32 to index
        %parallel_loop3A_325 = arith.index_cast %parallel_loop3A_322 : i32 to index
        %parallel_loop3A_326 = arith.index_cast %parallel_loop3A_281 : i32 to index
        %parallel_loop3A_327 = tpu.vector_load %arg7[%parallel_loop3A_323, %parallel_loop3A_324, %parallel_loop3A_325, %parallel_loop3A_326] {strides = array<i32>} : memref<2x3x8x128xf32, #tpu.memory_space<vmem>>, vector<16xf32>,
        %parallel_loop3A_328 = arith.mulf %parallel_loop3A_327, %parallel_loop3A_327 : vector<16xf32>
        %parallel_loop3A_329 = arith.mulf %parallel_loop3A_328, %div3A_79 : vector<16xf32>
        %parallel_loop3A_330 = math.exp %parallel_loop3A_329 : vector<16xf32>
        %parallel_loop3A_331 = arith.addf %parallel_loop3A_311, %parallel_loop3A_330 : vector<16xf32>
        %parallel_loop3A_332 = arith.constant 2 : i32
        %parallel_loop3A_333 = arith.index_cast %parallel_loop3A_274 : i32 to index
        %parallel_loop3A_334 = arith.index_cast %parallel_loop3A_279 : i32 to index
        %parallel_loop3A_335 = arith.index_cast %parallel_loop3A_332 : i32 to index
        %parallel_loop3A_336 = arith.index_cast %parallel_loop3A_281 : i32 to index
        %parallel_loop3A_337 = tpu.vector_load %arg9[%parallel_loop3A_333, %parallel_loop3A_334, %parallel_loop3A_335, %parallel_loop3A_336] {strides = array<i32>} : memref<2x3x8x128xf32, #tpu.memory_space<vmem>>, vector<16xf32>,
        %parallel_loop3A_338 = arith.fptosi %parallel_loop3A_337 : vector<16xf32> to vector<16xi32>
        %parallel_loop3A_339 = tpu.vector_load_idx %arg6[%parallel_loop3A_338] : memref<100000xf32, #tpu.memory_space<vmem>>[vector<16xi32>], vector<16xf32>,
        %parallel_loop3A_340 = arith.mulf %parallel_loop3A_330, %parallel_loop3A_339 : vector<16xf32>
        %parallel_loop3A_341 = arith.addf %parallel_loop3A_321, %parallel_loop3A_340 : vector<16xf32>
        %parallel_loop3A_342 = arith.constant 3 : i32
        %parallel_loop3A_343 = arith.index_cast %parallel_loop3A_274 : i32 to index
        %parallel_loop3A_344 = arith.index_cast %parallel_loop3A_279 : i32 to index
        %parallel_loop3A_345 = arith.index_cast %parallel_loop3A_342 : i32 to index
        %parallel_loop3A_346 = arith.index_cast %parallel_loop3A_281 : i32 to index
        %parallel_loop3A_347 = tpu.vector_load %arg7[%parallel_loop3A_343, %parallel_loop3A_344, %parallel_loop3A_345, %parallel_loop3A_346] {strides = array<i32>} : memref<2x3x8x128xf32, #tpu.memory_space<vmem>>, vector<16xf32>,
        %parallel_loop3A_348 = arith.mulf %parallel_loop3A_347, %parallel_loop3A_347 : vector<16xf32>
        %parallel_loop3A_349 = arith.mulf %parallel_loop3A_348, %div3A_79 : vector<16xf32>
        %parallel_loop3A_350 = math.exp %parallel_loop3A_349 : vector<16xf32>
        %parallel_loop3A_351 = arith.addf %parallel_loop3A_331, %parallel_loop3A_350 : vector<16xf32>
        %parallel_loop3A_352 = arith.constant 3 : i32
        %parallel_loop3A_353 = arith.index_cast %parallel_loop3A_274 : i32 to index
        %parallel_loop3A_354 = arith.index_cast %parallel_loop3A_279 : i32 to index
        %parallel_loop3A_355 = arith.index_cast %parallel_loop3A_352 : i32 to index
        %parallel_loop3A_356 = arith.index_cast %parallel_loop3A_281 : i32 to index
        %parallel_loop3A_357 = tpu.vector_load %arg9[%parallel_loop3A_353, %parallel_loop3A_354, %parallel_loop3A_355, %parallel_loop3A_356] {strides = array<i32>} : memref<2x3x8x128xf32, #tpu.memory_space<vmem>>, vector<16xf32>,
        %parallel_loop3A_358 = arith.fptosi %parallel_loop3A_357 : vector<16xf32> to vector<16xi32>
        %parallel_loop3A_359 = tpu.vector_load_idx %arg6[%parallel_loop3A_358] : memref<100000xf32, #tpu.memory_space<vmem>>[vector<16xi32>], vector<16xf32>,
        %parallel_loop3A_360 = arith.mulf %parallel_loop3A_350, %parallel_loop3A_359 : vector<16xf32>
        %parallel_loop3A_361 = arith.addf %parallel_loop3A_341, %parallel_loop3A_360 : vector<16xf32>
        %parallel_loop3A_362 = arith.constant 4 : i32
        %parallel_loop3A_363 = arith.index_cast %parallel_loop3A_274 : i32 to index
        %parallel_loop3A_364 = arith.index_cast %parallel_loop3A_279 : i32 to index
        %parallel_loop3A_365 = arith.index_cast %parallel_loop3A_362 : i32 to index
        %parallel_loop3A_366 = arith.index_cast %parallel_loop3A_281 : i32 to index
        %parallel_loop3A_367 = tpu.vector_load %arg7[%parallel_loop3A_363, %parallel_loop3A_364, %parallel_loop3A_365, %parallel_loop3A_366] {strides = array<i32>} : memref<2x3x8x128xf32, #tpu.memory_space<vmem>>, vector<16xf32>,
        %parallel_loop3A_368 = arith.mulf %parallel_loop3A_367, %parallel_loop3A_367 : vector<16xf32>
        %parallel_loop3A_369 = arith.mulf %parallel_loop3A_368, %div3A_79 : vector<16xf32>
        %parallel_loop3A_370 = math.exp %parallel_loop3A_369 : vector<16xf32>
        %parallel_loop3A_371 = arith.addf %parallel_loop3A_351, %parallel_loop3A_370 : vector<16xf32>
        %parallel_loop3A_372 = arith.constant 4 : i32
        %parallel_loop3A_373 = arith.index_cast %parallel_loop3A_274 : i32 to index
        %parallel_loop3A_374 = arith.index_cast %parallel_loop3A_279 : i32 to index
        %parallel_loop3A_375 = arith.index_cast %parallel_loop3A_372 : i32 to index
        %parallel_loop3A_376 = arith.index_cast %parallel_loop3A_281 : i32 to index
        %parallel_loop3A_377 = tpu.vector_load %arg9[%parallel_loop3A_373, %parallel_loop3A_374, %parallel_loop3A_375, %parallel_loop3A_376] {strides = array<i32>} : memref<2x3x8x128xf32, #tpu.memory_space<vmem>>, vector<16xf32>,
        %parallel_loop3A_378 = arith.fptosi %parallel_loop3A_377 : vector<16xf32> to vector<16xi32>
        %parallel_loop3A_379 = tpu.vector_load_idx %arg6[%parallel_loop3A_378] : memref<100000xf32, #tpu.memory_space<vmem>>[vector<16xi32>], vector<16xf32>,
        %parallel_loop3A_380 = arith.mulf %parallel_loop3A_370, %parallel_loop3A_379 : vector<16xf32>
        %parallel_loop3A_381 = arith.addf %parallel_loop3A_361, %parallel_loop3A_380 : vector<16xf32>
        %parallel_loop3A_382 = arith.constant 5 : i32
        %parallel_loop3A_383 = arith.index_cast %parallel_loop3A_274 : i32 to index
        %parallel_loop3A_384 = arith.index_cast %parallel_loop3A_279 : i32 to index
        %parallel_loop3A_385 = arith.index_cast %parallel_loop3A_382 : i32 to index
        %parallel_loop3A_386 = arith.index_cast %parallel_loop3A_281 : i32 to index
        %parallel_loop3A_387 = tpu.vector_load %arg7[%parallel_loop3A_383, %parallel_loop3A_384, %parallel_loop3A_385, %parallel_loop3A_386] {strides = array<i32>} : memref<2x3x8x128xf32, #tpu.memory_space<vmem>>, vector<16xf32>,
        %parallel_loop3A_388 = arith.mulf %parallel_loop3A_387, %parallel_loop3A_387 : vector<16xf32>
        %parallel_loop3A_389 = arith.mulf %parallel_loop3A_388, %div3A_79 : vector<16xf32>
        %parallel_loop3A_390 = math.exp %parallel_loop3A_389 : vector<16xf32>
        %parallel_loop3A_391 = arith.addf %parallel_loop3A_371, %parallel_loop3A_390 : vector<16xf32>
        %parallel_loop3A_392 = arith.constant 5 : i32
        %parallel_loop3A_393 = arith.index_cast %parallel_loop3A_274 : i32 to index
        %parallel_loop3A_394 = arith.index_cast %parallel_loop3A_279 : i32 to index
        %parallel_loop3A_395 = arith.index_cast %parallel_loop3A_392 : i32 to index
        %parallel_loop3A_396 = arith.index_cast %parallel_loop3A_281 : i32 to index
        %parallel_loop3A_397 = tpu.vector_load %arg9[%parallel_loop3A_393, %parallel_loop3A_394, %parallel_loop3A_395, %parallel_loop3A_396] {strides = array<i32>} : memref<2x3x8x128xf32, #tpu.memory_space<vmem>>, vector<16xf32>,
        %parallel_loop3A_398 = arith.fptosi %parallel_loop3A_397 : vector<16xf32> to vector<16xi32>
        %parallel_loop3A_399 = tpu.vector_load_idx %arg6[%parallel_loop3A_398] : memref<100000xf32, #tpu.memory_space<vmem>>[vector<16xi32>], vector<16xf32>,
        %parallel_loop3A_400 = arith.mulf %parallel_loop3A_390, %parallel_loop3A_399 : vector<16xf32>
        %parallel_loop3A_401 = arith.addf %parallel_loop3A_381, %parallel_loop3A_400 : vector<16xf32>
        %parallel_loop3A_402 = arith.constant 6 : i32
        %parallel_loop3A_403 = arith.index_cast %parallel_loop3A_274 : i32 to index
        %parallel_loop3A_404 = arith.index_cast %parallel_loop3A_279 : i32 to index
        %parallel_loop3A_405 = arith.index_cast %parallel_loop3A_402 : i32 to index
        %parallel_loop3A_406 = arith.index_cast %parallel_loop3A_281 : i32 to index
        %parallel_loop3A_407 = tpu.vector_load %arg7[%parallel_loop3A_403, %parallel_loop3A_404, %parallel_loop3A_405, %parallel_loop3A_406] {strides = array<i32>} : memref<2x3x8x128xf32, #tpu.memory_space<vmem>>, vector<16xf32>,
        %parallel_loop3A_408 = arith.mulf %parallel_loop3A_407, %parallel_loop3A_407 : vector<16xf32>
        %parallel_loop3A_409 = arith.mulf %parallel_loop3A_408, %div3A_79 : vector<16xf32>
        %parallel_loop3A_410 = math.exp %parallel_loop3A_409 : vector<16xf32>
        %parallel_loop3A_411 = arith.addf %parallel_loop3A_391, %parallel_loop3A_410 : vector<16xf32>
        %parallel_loop3A_412 = arith.constant 6 : i32
        %parallel_loop3A_413 = arith.index_cast %parallel_loop3A_274 : i32 to index
        %parallel_loop3A_414 = arith.index_cast %parallel_loop3A_279 : i32 to index
        %parallel_loop3A_415 = arith.index_cast %parallel_loop3A_412 : i32 to index
        %parallel_loop3A_416 = arith.index_cast %parallel_loop3A_281 : i32 to index
        %parallel_loop3A_417 = tpu.vector_load %arg9[%parallel_loop3A_413, %parallel_loop3A_414, %parallel_loop3A_415, %parallel_loop3A_416] {strides = array<i32>} : memref<2x3x8x128xf32, #tpu.memory_space<vmem>>, vector<16xf32>,
        %parallel_loop3A_418 = arith.fptosi %parallel_loop3A_417 : vector<16xf32> to vector<16xi32>
        %parallel_loop3A_419 = tpu.vector_load_idx %arg6[%parallel_loop3A_418] : memref<100000xf32, #tpu.memory_space<vmem>>[vector<16xi32>], vector<16xf32>,
        %parallel_loop3A_420 = arith.mulf %parallel_loop3A_410, %parallel_loop3A_419 : vector<16xf32>
        %parallel_loop3A_421 = arith.addf %parallel_loop3A_401, %parallel_loop3A_420 : vector<16xf32>
        %parallel_loop3A_422 = arith.constant 7 : i32
        %parallel_loop3A_423 = arith.index_cast %parallel_loop3A_274 : i32 to index
        %parallel_loop3A_424 = arith.index_cast %parallel_loop3A_279 : i32 to index
        %parallel_loop3A_425 = arith.index_cast %parallel_loop3A_422 : i32 to index
        %parallel_loop3A_426 = arith.index_cast %parallel_loop3A_281 : i32 to index
        %parallel_loop3A_427 = tpu.vector_load %arg7[%parallel_loop3A_423, %parallel_loop3A_424, %parallel_loop3A_425, %parallel_loop3A_426] {strides = array<i32>} : memref<2x3x8x128xf32, #tpu.memory_space<vmem>>, vector<16xf32>,
        %parallel_loop3A_428 = arith.mulf %parallel_loop3A_427, %parallel_loop3A_427 : vector<16xf32>
        %parallel_loop3A_429 = arith.mulf %parallel_loop3A_428, %div3A_79 : vector<16xf32>
        %parallel_loop3A_430 = math.exp %parallel_loop3A_429 : vector<16xf32>
        %parallel_loop3A_431 = arith.addf %parallel_loop3A_411, %parallel_loop3A_430 : vector<16xf32>
        %parallel_loop3A_432 = arith.constant 7 : i32
        %parallel_loop3A_433 = arith.index_cast %parallel_loop3A_274 : i32 to index
        %parallel_loop3A_434 = arith.index_cast %parallel_loop3A_279 : i32 to index
        %parallel_loop3A_435 = arith.index_cast %parallel_loop3A_432 : i32 to index
        %parallel_loop3A_436 = arith.index_cast %parallel_loop3A_281 : i32 to index
        %parallel_loop3A_437 = tpu.vector_load %arg9[%parallel_loop3A_433, %parallel_loop3A_434, %parallel_loop3A_435, %parallel_loop3A_436] {strides = array<i32>} : memref<2x3x8x128xf32, #tpu.memory_space<vmem>>, vector<16xf32>,
        %parallel_loop3A_438 = arith.fptosi %parallel_loop3A_437 : vector<16xf32> to vector<16xi32>
        %parallel_loop3A_439 = tpu.vector_load_idx %arg6[%parallel_loop3A_438] : memref<100000xf32, #tpu.memory_space<vmem>>[vector<16xi32>], vector<16xf32>,
        %parallel_loop3A_440 = arith.mulf %parallel_loop3A_430, %parallel_loop3A_439 : vector<16xf32>
        %parallel_loop3A_441 = arith.addf %parallel_loop3A_421, %parallel_loop3A_440 : vector<16xf32>
        %parallel_loop3A_442 = arith.constant 1.000000e-03 : f32
        %parallel_loop3A_443 = vector.broadcast %parallel_loop3A_442 : f32 to vector<16xf32>
        %parallel_loop3A_444 = arith.addf %parallel_loop3A_431, %parallel_loop3A_443 : vector<16xf32>
        %parallel_loop3A_445 = arith.divf %parallel_loop3A_441, %parallel_loop3A_444 : vector<16xf32>
        %parallel_loop3A_446 = arith.constant 0.000000e+00 : f32
        %parallel_loop3A_447 = vector.broadcast %parallel_loop3A_446 : f32 to vector<16xf32>
        %parallel_loop3A_448 = arith.cmpf ogt, %parallel_loop3A_431, %parallel_loop3A_447 : vector<16xf32>
        %parallel_loop3A_449 = arith.constant 0.000000e+00 : f32
        %parallel_loop3A_450 = vector.broadcast %parallel_loop3A_449 : f32 to vector<16xf32>
        %parallel_loop3A_451 = arith.select %parallel_loop3A_448, %parallel_loop3A_445, %parallel_loop3A_450 : vector<16xi1>, vector<16xf32>
        %parallel_loop3A_452 = arith.index_cast %parallel_loop3A_274 : i32 to index
        %parallel_loop3A_453 = arith.index_cast %parallel_loop3A_279 : i32 to index
        %parallel_loop3A_454 = arith.index_cast %parallel_loop3A_281 : i32 to index
        %parallel_loop3A_455 = tpu.vector_load %arg11[%parallel_loop3A_452, %parallel_loop3A_453, %parallel_loop3A_454] {strides = array<i32>} : memref<2x3x128xf32, #tpu.memory_space<vmem>>, vector<16xf32>,
        tpu.vector_store %arg11[%parallel_loop3A_452, %parallel_loop3A_453, %parallel_loop3A_454], %parallel_loop3A_451 {strides = array<i32>} : memref<2x3x128xf32, #tpu.memory_space<vmem>>, vector<16xf32>,
      } {sc.loop_unroll_factor = 2 : i64, sc.parallel_access}
      %mul3A_193 = arith.constant 2 : i32
      %mul3A_194 = arith.muli %add3A_160, %mul3A_193 : i32
      %add3A_195 = arith.addi %mul3A_72, %mul3A_194 : i32
      %dma_start3A_196 = arith.constant 0 : i32
      %dma_start3A_197 = arith.constant 0 : i32
      %dma_start3A_198 = tpu.memref_slice %arg5[%select_n3A_54, %add3A_195, %dma_start3A_196, %select_n3A_9, %dma_start3A_197] : memref<4x384x3x4x128xf32, #tpu.memory_space<hbm>> -> memref<1x2x3x1x128xf32, #tpu.memory_space<hbm>>
      %dma_start3A_199 = tpu.memref_squeeze %dma_start3A_198 : memref<1x2x3x1x128xf32, #tpu.memory_space<hbm>> -> memref<2x3x128xf32, #tpu.memory_space<hbm>>
      %dma_start3A_200 = arith.constant 0 : i32
      %dma_start3A_201 = arith.constant 0 : i32
      %dma_start3A_202 = tpu.memref_slice %arg5[%select_n3A_54, %add3A_195, %dma_start3A_200, %select_n3A_9, %dma_start3A_201] : memref<4x384x3x4x128xf32, #tpu.memory_space<hbm>> -> memref<1x2x3x1x128xf32, #tpu.memory_space<hbm>>
      %dma_start3A_203 = tpu.memref_squeeze %dma_start3A_202 : memref<1x2x3x1x128xf32, #tpu.memory_space<hbm>> -> memref<2x3x128xf32, #tpu.memory_space<hbm>>
      tpu.enqueue_dma source(%arg11 : memref<2x3x128xf32, #tpu.memory_space<vmem>>) target(%dma_start3A_203 : memref<2x3x128xf32, #tpu.memory_space<hbm>>) target_semaphore(%arg18 : memref<!tpu.dma_semaphore, #tpu.memory_space<semaphore_mem>>)
      %add3A_204 = arith.constant 2 : i32
      %add3A_205 = arith.addi %add3A_160, %add3A_204 : i32
      %lt3A_206 = arith.constant 96 : i32
      %lt3A_207 = arith.cmpi slt, %add3A_205, %lt3A_206 : i32
      %convert_element_type3A_208 = arith.extui %lt3A_207 : i1 to i32
      %cond3A_209 = arith.constant 0 : i32
      %cond3A_210 = arith.cmpi ne, %convert_element_type3A_208, %cond3A_209 : i32
      scf.if %cond3A_210 {
        %add3A_269 = arith.constant 2 : i32
        %add3A_270 = arith.addi %add3A_160, %add3A_269 : i32
        %mul3A_271 = arith.constant 2 : i32
        %mul3A_272 = arith.muli %add3A_270, %mul3A_271 : i32
        %add3A_273 = arith.addi %mul3A_72, %mul3A_272 : i32
        %dma_start3A_274 = arith.constant 0 : i32
        %dma_start3A_275 = arith.constant 0 : i32
        %dma_start3A_276 = arith.constant 0 : i32
        %dma_start3A_277 = arith.constant 0 : i32
        %dma_start3A_278 = tpu.memref_slice %arg3[%select_n3A_54, %dma_start3A_274, %add3A_273, %dma_start3A_275, %dma_start3A_276, %dma_start3A_277] : memref<4x2x384x3x8x128xf32, #tpu.memory_space<hbm>> -> memref<1x1x2x3x8x128xf32, #tpu.memory_space<hbm>>
        %dma_start3A_279 = tpu.memref_squeeze %dma_start3A_278 : memref<1x1x2x3x8x128xf32, #tpu.memory_space<hbm>> -> memref<2x3x8x128xf32, #tpu.memory_space<hbm>>
        %dma_start3A_280 = arith.constant 0 : i32
        %dma_start3A_281 = arith.constant 0 : i32
        %dma_start3A_282 = arith.constant 0 : i32
        %dma_start3A_283 = tpu.memref_slice %arg3[%select_n3A_54, %dma_start3A_274, %add3A_273, %dma_start3A_280, %dma_start3A_281, %dma_start3A_282] : memref<4x2x384x3x8x128xf32, #tpu.memory_space<hbm>> -> memref<1x1x2x3x8x128xf32, #tpu.memory_space<hbm>>
        %dma_start3A_284 = tpu.memref_squeeze %dma_start3A_283 : memref<1x1x2x3x8x128xf32, #tpu.memory_space<hbm>> -> memref<2x3x8x128xf32, #tpu.memory_space<hbm>>
        tpu.enqueue_dma source(%dma_start3A_284 : memref<2x3x8x128xf32, #tpu.memory_space<hbm>>) target(%arg7 : memref<2x3x8x128xf32, #tpu.memory_space<vmem>>) target_semaphore(%arg14 : memref<!tpu.dma_semaphore, #tpu.memory_space<semaphore_mem>>)
        %add3A_285 = arith.constant 2 : i32
        %add3A_286 = arith.addi %add3A_160, %add3A_285 : i32
        %mul3A_287 = arith.constant 2 : i32
        %mul3A_288 = arith.muli %add3A_286, %mul3A_287 : i32
        %add3A_289 = arith.addi %mul3A_72, %mul3A_288 : i32
        %dma_start3A_290 = arith.constant 1 : i32
        %dma_start3A_291 = arith.constant 0 : i32
        %dma_start3A_292 = arith.constant 0 : i32
        %dma_start3A_293 = arith.constant 0 : i32
        %dma_start3A_294 = tpu.memref_slice %arg3[%select_n3A_54, %dma_start3A_290, %add3A_289, %dma_start3A_291, %dma_start3A_292, %dma_start3A_293] : memref<4x2x384x3x8x128xf32, #tpu.memory_space<hbm>> -> memref<1x1x2x3x8x128xf32, #tpu.memory_space<hbm>>
        %dma_start3A_295 = tpu.memref_squeeze %dma_start3A_294 : memref<1x1x2x3x8x128xf32, #tpu.memory_space<hbm>> -> memref<2x3x8x128xf32, #tpu.memory_space<hbm>>
        %dma_start3A_296 = arith.constant 0 : i32
        %dma_start3A_297 = arith.constant 0 : i32
        %dma_start3A_298 = arith.constant 0 : i32
        %dma_start3A_299 = tpu.memref_slice %arg3[%select_n3A_54, %dma_start3A_290, %add3A_289, %dma_start3A_296, %dma_start3A_297, %dma_start3A_298] : memref<4x2x384x3x8x128xf32, #tpu.memory_space<hbm>> -> memref<1x1x2x3x8x128xf32, #tpu.memory_space<hbm>>
        %dma_start3A_300 = tpu.memref_squeeze %dma_start3A_299 : memref<1x1x2x3x8x128xf32, #tpu.memory_space<hbm>> -> memref<2x3x8x128xf32, #tpu.memory_space<hbm>>
        tpu.enqueue_dma source(%dma_start3A_300 : memref<2x3x8x128xf32, #tpu.memory_space<hbm>>) target(%arg9 : memref<2x3x8x128xf32, #tpu.memory_space<vmem>>) target_semaphore(%arg16 : memref<!tpu.dma_semaphore, #tpu.memory_space<semaphore_mem>>)
      } else {
      }
      %mul3A_211 = arith.constant 2 : i32
      %mul3A_212 = arith.muli %scan3A_156, %mul3A_211 : i32
      %add3A_213 = arith.constant 1 : i32
      %add3A_214 = arith.addi %mul3A_212, %add3A_213 : i32
      %mul3A_215 = arith.constant 2 : i32
      %mul3A_216 = arith.muli %add3A_214, %mul3A_215 : i32
      %add3A_217 = arith.addi %mul3A_72, %mul3A_216 : i32
      %dma_wait3A_218 = arith.constant 0 : i32
      %dma_wait3A_219 = arith.constant 0 : i32
      %dma_wait3A_220 = arith.constant 0 : i32
      %dma_wait3A_221 = arith.constant 0 : i32
      %dma_wait3A_222 = tpu.memref_slice %arg3[%select_n3A_54, %dma_wait3A_218, %add3A_217, %dma_wait3A_219, %dma_wait3A_220, %dma_wait3A_221] : memref<4x2x384x3x8x128xf32, #tpu.memory_space<hbm>> -> memref<1x1x2x3x8x128xf32, #tpu.memory_space<hbm>>
      %dma_wait3A_223 = tpu.memref_squeeze %dma_wait3A_222 : memref<1x1x2x3x8x128xf32, #tpu.memory_space<hbm>> -> memref<2x3x8x128xf32, #tpu.memory_space<hbm>>
      %dma_wait3A_224 = arith.constant 0 : i32
      %dma_wait3A_225 = arith.constant 0 : i32
      %dma_wait3A_226 = arith.constant 0 : i32
      %dma_wait3A_227 = tpu.memref_slice %arg3[%select_n3A_54, %dma_wait3A_218, %add3A_217, %dma_wait3A_224, %dma_wait3A_225, %dma_wait3A_226] : memref<4x2x384x3x8x128xf32, #tpu.memory_space<hbm>> -> memref<1x1x2x3x8x128xf32, #tpu.memory_space<hbm>>
      %dma_wait3A_228 = tpu.memref_squeeze %dma_wait3A_227 : memref<1x1x2x3x8x128xf32, #tpu.memory_space<hbm>> -> memref<2x3x8x128xf32, #tpu.memory_space<hbm>>
      tpu.wait_dma2 semaphore(%arg15 : memref<!tpu.dma_semaphore, #tpu.memory_space<semaphore_mem>>) src(%dma_wait3A_228 : memref<2x3x8x128xf32, #tpu.memory_space<hbm>>) dst(%arg8 : memref<2x3x8x128xf32, #tpu.memory_space<vmem>>)
      %mul3A_229 = arith.constant 2 : i32
      %mul3A_230 = arith.muli %add3A_214, %mul3A_229 : i32
      %add3A_231 = arith.addi %mul3A_72, %mul3A_230 : i32
      %dma_wait3A_232 = arith.constant 1 : i32
      %dma_wait3A_233 = arith.constant 0 : i32
      %dma_wait3A_234 = arith.constant 0 : i32
      %dma_wait3A_235 = arith.constant 0 : i32
      %dma_wait3A_236 = tpu.memref_slice %arg3[%select_n3A_54, %dma_wait3A_232, %add3A_231, %dma_wait3A_233, %dma_wait3A_234, %dma_wait3A_235] : memref<4x2x384x3x8x128xf32, #tpu.memory_space<hbm>> -> memref<1x1x2x3x8x128xf32, #tpu.memory_space<hbm>>
      %dma_wait3A_237 = tpu.memref_squeeze %dma_wait3A_236 : memref<1x1x2x3x8x128xf32, #tpu.memory_space<hbm>> -> memref<2x3x8x128xf32, #tpu.memory_space<hbm>>
      %dma_wait3A_238 = arith.constant 0 : i32
      %dma_wait3A_239 = arith.constant 0 : i32
      %dma_wait3A_240 = arith.constant 0 : i32
      %dma_wait3A_241 = tpu.memref_slice %arg3[%select_n3A_54, %dma_wait3A_232, %add3A_231, %dma_wait3A_238, %dma_wait3A_239, %dma_wait3A_240] : memref<4x2x384x3x8x128xf32, #tpu.memory_space<hbm>> -> memref<1x1x2x3x8x128xf32, #tpu.memory_space<hbm>>
      %dma_wait3A_242 = tpu.memref_squeeze %dma_wait3A_241 : memref<1x1x2x3x8x128xf32, #tpu.memory_space<hbm>> -> memref<2x3x8x128xf32, #tpu.memory_space<hbm>>
      tpu.wait_dma2 semaphore(%arg17 : memref<!tpu.dma_semaphore, #tpu.memory_space<semaphore_mem>>) src(%dma_wait3A_242 : memref<2x3x8x128xf32, #tpu.memory_space<hbm>>) dst(%arg10 : memref<2x3x8x128xf32, #tpu.memory_space<vmem>>)
      %ge3A_243 = arith.constant 2 : i32
      %ge3A_244 = arith.cmpi sge, %add3A_214, %ge3A_243 : i32
      %convert_element_type3A_245 = arith.extui %ge3A_244 : i1 to i32
      %cond3A_246 = arith.constant 0 : i32
      %cond3A_247 = arith.cmpi ne, %convert_element_type3A_245, %cond3A_246 : i32
      scf.if %cond3A_247 {
        %sub3A_269 = arith.constant 2 : i32
        %sub3A_270 = arith.subi %add3A_214, %sub3A_269 : i32
        %mul3A_271 = arith.constant 2 : i32
        %mul3A_272 = arith.muli %sub3A_270, %mul3A_271 : i32
        %add3A_273 = arith.addi %mul3A_72, %mul3A_272 : i32
        %dma_wait3A_274 = arith.constant 0 : i32
        %dma_wait3A_275 = arith.constant 0 : i32
        %dma_wait3A_276 = tpu.memref_slice %arg5[%select_n3A_54, %add3A_273, %dma_wait3A_274, %select_n3A_9, %dma_wait3A_275] : memref<4x384x3x4x128xf32, #tpu.memory_space<hbm>> -> memref<1x2x3x1x128xf32, #tpu.memory_space<hbm>>
        %dma_wait3A_277 = tpu.memref_squeeze %dma_wait3A_276 : memref<1x2x3x1x128xf32, #tpu.memory_space<hbm>> -> memref<2x3x128xf32, #tpu.memory_space<hbm>>
        %dma_wait3A_278 = arith.constant 0 : i32
        %dma_wait3A_279 = arith.constant 0 : i32
        %dma_wait3A_280 = tpu.memref_slice %arg5[%select_n3A_54, %add3A_273, %dma_wait3A_278, %select_n3A_9, %dma_wait3A_279] : memref<4x384x3x4x128xf32, #tpu.memory_space<hbm>> -> memref<1x2x3x1x128xf32, #tpu.memory_space<hbm>>
        %dma_wait3A_281 = tpu.memref_squeeze %dma_wait3A_280 : memref<1x2x3x1x128xf32, #tpu.memory_space<hbm>> -> memref<2x3x128xf32, #tpu.memory_space<hbm>>
        tpu.wait_dma2 semaphore(%arg19 : memref<!tpu.dma_semaphore, #tpu.memory_space<semaphore_mem>>) src(%arg12 : memref<2x3x128xf32, #tpu.memory_space<vmem>>) dst(%dma_wait3A_281 : memref<2x3x128xf32, #tpu.memory_space<hbm>>)
      } else {
      }
      %parallel_loop3A_248 = arith.constant 0 : i32
      %parallel_loop3A_249 = arith.constant 768 : i32
      %parallel_loop3A_250 = arith.constant 16 : i32
      scf.for %parallel_loop3A_269 = %parallel_loop3A_248 to %parallel_loop3A_249 step %parallel_loop3A_250  : i32 {
        %parallel_loop3A_270 = arith.constant 384 : i32
        %parallel_loop3A_271 = arith.cmpi sge, %parallel_loop3A_269, %parallel_loop3A_270 : i32
        %parallel_loop3A_272 = arith.constant 1 : i32
        %parallel_loop3A_273 = arith.constant 0 : i32
        %parallel_loop3A_274 = arith.select %parallel_loop3A_271, %parallel_loop3A_272, %parallel_loop3A_273 : i32
        %parallel_loop3A_275 = arith.constant 384 : i32
        %parallel_loop3A_276 = arith.muli %parallel_loop3A_274, %parallel_loop3A_275 : i32
        %parallel_loop3A_277 = arith.subi %parallel_loop3A_269, %parallel_loop3A_276 : i32
        %parallel_loop3A_278 = arith.constant 7 : i32
        %parallel_loop3A_279 = arith.shrui %parallel_loop3A_277, %parallel_loop3A_278 : i32
        %parallel_loop3A_280 = arith.constant 127 : i32
        %parallel_loop3A_281 = arith.andi %parallel_loop3A_277, %parallel_loop3A_280 : i32
        %parallel_loop3A_282 = arith.constant 0 : i32
        %parallel_loop3A_283 = arith.index_cast %parallel_loop3A_274 : i32 to index
        %parallel_loop3A_284 = arith.index_cast %parallel_loop3A_279 : i32 to index
        %parallel_loop3A_285 = arith.index_cast %parallel_loop3A_282 : i32 to index
        %parallel_loop3A_286 = arith.index_cast %parallel_loop3A_281 : i32 to index
        %parallel_loop3A_287 = tpu.vector_load %arg8[%parallel_loop3A_283, %parallel_loop3A_284, %parallel_loop3A_285, %parallel_loop3A_286] {strides = array<i32>} : memref<2x3x8x128xf32, #tpu.memory_space<vmem>>, vector<16xf32>,
        %parallel_loop3A_288 = arith.mulf %parallel_loop3A_287, %parallel_loop3A_287 : vector<16xf32>
        %parallel_loop3A_289 = arith.mulf %parallel_loop3A_288, %div3A_79 : vector<16xf32>
        %parallel_loop3A_290 = math.exp %parallel_loop3A_289 : vector<16xf32>
        %parallel_loop3A_291 = arith.addf %broadcast_in_dim3A_80, %parallel_loop3A_290 : vector<16xf32>
        %parallel_loop3A_292 = arith.constant 0 : i32
        %parallel_loop3A_293 = arith.index_cast %parallel_loop3A_274 : i32 to index
        %parallel_loop3A_294 = arith.index_cast %parallel_loop3A_279 : i32 to index
        %parallel_loop3A_295 = arith.index_cast %parallel_loop3A_292 : i32 to index
        %parallel_loop3A_296 = arith.index_cast %parallel_loop3A_281 : i32 to index
        %parallel_loop3A_297 = tpu.vector_load %arg10[%parallel_loop3A_293, %parallel_loop3A_294, %parallel_loop3A_295, %parallel_loop3A_296] {strides = array<i32>} : memref<2x3x8x128xf32, #tpu.memory_space<vmem>>, vector<16xf32>,
        %parallel_loop3A_298 = arith.fptosi %parallel_loop3A_297 : vector<16xf32> to vector<16xi32>
        %parallel_loop3A_299 = tpu.vector_load_idx %arg6[%parallel_loop3A_298] : memref<100000xf32, #tpu.memory_space<vmem>>[vector<16xi32>], vector<16xf32>,
        %parallel_loop3A_300 = arith.mulf %parallel_loop3A_290, %parallel_loop3A_299 : vector<16xf32>
        %parallel_loop3A_301 = arith.addf %broadcast_in_dim3A_80, %parallel_loop3A_300 : vector<16xf32>
        %parallel_loop3A_302 = arith.constant 1 : i32
        %parallel_loop3A_303 = arith.index_cast %parallel_loop3A_274 : i32 to index
        %parallel_loop3A_304 = arith.index_cast %parallel_loop3A_279 : i32 to index
        %parallel_loop3A_305 = arith.index_cast %parallel_loop3A_302 : i32 to index
        %parallel_loop3A_306 = arith.index_cast %parallel_loop3A_281 : i32 to index
        %parallel_loop3A_307 = tpu.vector_load %arg8[%parallel_loop3A_303, %parallel_loop3A_304, %parallel_loop3A_305, %parallel_loop3A_306] {strides = array<i32>} : memref<2x3x8x128xf32, #tpu.memory_space<vmem>>, vector<16xf32>,
        %parallel_loop3A_308 = arith.mulf %parallel_loop3A_307, %parallel_loop3A_307 : vector<16xf32>
        %parallel_loop3A_309 = arith.mulf %parallel_loop3A_308, %div3A_79 : vector<16xf32>
        %parallel_loop3A_310 = math.exp %parallel_loop3A_309 : vector<16xf32>
        %parallel_loop3A_311 = arith.addf %parallel_loop3A_291, %parallel_loop3A_310 : vector<16xf32>
        %parallel_loop3A_312 = arith.constant 1 : i32
        %parallel_loop3A_313 = arith.index_cast %parallel_loop3A_274 : i32 to index
        %parallel_loop3A_314 = arith.index_cast %parallel_loop3A_279 : i32 to index
        %parallel_loop3A_315 = arith.index_cast %parallel_loop3A_312 : i32 to index
        %parallel_loop3A_316 = arith.index_cast %parallel_loop3A_281 : i32 to index
        %parallel_loop3A_317 = tpu.vector_load %arg10[%parallel_loop3A_313, %parallel_loop3A_314, %parallel_loop3A_315, %parallel_loop3A_316] {strides = array<i32>} : memref<2x3x8x128xf32, #tpu.memory_space<vmem>>, vector<16xf32>,
        %parallel_loop3A_318 = arith.fptosi %parallel_loop3A_317 : vector<16xf32> to vector<16xi32>
        %parallel_loop3A_319 = tpu.vector_load_idx %arg6[%parallel_loop3A_318] : memref<100000xf32, #tpu.memory_space<vmem>>[vector<16xi32>], vector<16xf32>,
        %parallel_loop3A_320 = arith.mulf %parallel_loop3A_310, %parallel_loop3A_319 : vector<16xf32>
        %parallel_loop3A_321 = arith.addf %parallel_loop3A_301, %parallel_loop3A_320 : vector<16xf32>
        %parallel_loop3A_322 = arith.constant 2 : i32
        %parallel_loop3A_323 = arith.index_cast %parallel_loop3A_274 : i32 to index
        %parallel_loop3A_324 = arith.index_cast %parallel_loop3A_279 : i32 to index
        %parallel_loop3A_325 = arith.index_cast %parallel_loop3A_322 : i32 to index
        %parallel_loop3A_326 = arith.index_cast %parallel_loop3A_281 : i32 to index
        %parallel_loop3A_327 = tpu.vector_load %arg8[%parallel_loop3A_323, %parallel_loop3A_324, %parallel_loop3A_325, %parallel_loop3A_326] {strides = array<i32>} : memref<2x3x8x128xf32, #tpu.memory_space<vmem>>, vector<16xf32>,
        %parallel_loop3A_328 = arith.mulf %parallel_loop3A_327, %parallel_loop3A_327 : vector<16xf32>
        %parallel_loop3A_329 = arith.mulf %parallel_loop3A_328, %div3A_79 : vector<16xf32>
        %parallel_loop3A_330 = math.exp %parallel_loop3A_329 : vector<16xf32>
        %parallel_loop3A_331 = arith.addf %parallel_loop3A_311, %parallel_loop3A_330 : vector<16xf32>
        %parallel_loop3A_332 = arith.constant 2 : i32
        %parallel_loop3A_333 = arith.index_cast %parallel_loop3A_274 : i32 to index
        %parallel_loop3A_334 = arith.index_cast %parallel_loop3A_279 : i32 to index
        %parallel_loop3A_335 = arith.index_cast %parallel_loop3A_332 : i32 to index
        %parallel_loop3A_336 = arith.index_cast %parallel_loop3A_281 : i32 to index
        %parallel_loop3A_337 = tpu.vector_load %arg10[%parallel_loop3A_333, %parallel_loop3A_334, %parallel_loop3A_335, %parallel_loop3A_336] {strides = array<i32>} : memref<2x3x8x128xf32, #tpu.memory_space<vmem>>, vector<16xf32>,
        %parallel_loop3A_338 = arith.fptosi %parallel_loop3A_337 : vector<16xf32> to vector<16xi32>
        %parallel_loop3A_339 = tpu.vector_load_idx %arg6[%parallel_loop3A_338] : memref<100000xf32, #tpu.memory_space<vmem>>[vector<16xi32>], vector<16xf32>,
        %parallel_loop3A_340 = arith.mulf %parallel_loop3A_330, %parallel_loop3A_339 : vector<16xf32>
        %parallel_loop3A_341 = arith.addf %parallel_loop3A_321, %parallel_loop3A_340 : vector<16xf32>
        %parallel_loop3A_342 = arith.constant 3 : i32
        %parallel_loop3A_343 = arith.index_cast %parallel_loop3A_274 : i32 to index
        %parallel_loop3A_344 = arith.index_cast %parallel_loop3A_279 : i32 to index
        %parallel_loop3A_345 = arith.index_cast %parallel_loop3A_342 : i32 to index
        %parallel_loop3A_346 = arith.index_cast %parallel_loop3A_281 : i32 to index
        %parallel_loop3A_347 = tpu.vector_load %arg8[%parallel_loop3A_343, %parallel_loop3A_344, %parallel_loop3A_345, %parallel_loop3A_346] {strides = array<i32>} : memref<2x3x8x128xf32, #tpu.memory_space<vmem>>, vector<16xf32>,
        %parallel_loop3A_348 = arith.mulf %parallel_loop3A_347, %parallel_loop3A_347 : vector<16xf32>
        %parallel_loop3A_349 = arith.mulf %parallel_loop3A_348, %div3A_79 : vector<16xf32>
        %parallel_loop3A_350 = math.exp %parallel_loop3A_349 : vector<16xf32>
        %parallel_loop3A_351 = arith.addf %parallel_loop3A_331, %parallel_loop3A_350 : vector<16xf32>
        %parallel_loop3A_352 = arith.constant 3 : i32
        %parallel_loop3A_353 = arith.index_cast %parallel_loop3A_274 : i32 to index
        %parallel_loop3A_354 = arith.index_cast %parallel_loop3A_279 : i32 to index
        %parallel_loop3A_355 = arith.index_cast %parallel_loop3A_352 : i32 to index
        %parallel_loop3A_356 = arith.index_cast %parallel_loop3A_281 : i32 to index
        %parallel_loop3A_357 = tpu.vector_load %arg10[%parallel_loop3A_353, %parallel_loop3A_354, %parallel_loop3A_355, %parallel_loop3A_356] {strides = array<i32>} : memref<2x3x8x128xf32, #tpu.memory_space<vmem>>, vector<16xf32>,
        %parallel_loop3A_358 = arith.fptosi %parallel_loop3A_357 : vector<16xf32> to vector<16xi32>
        %parallel_loop3A_359 = tpu.vector_load_idx %arg6[%parallel_loop3A_358] : memref<100000xf32, #tpu.memory_space<vmem>>[vector<16xi32>], vector<16xf32>,
        %parallel_loop3A_360 = arith.mulf %parallel_loop3A_350, %parallel_loop3A_359 : vector<16xf32>
        %parallel_loop3A_361 = arith.addf %parallel_loop3A_341, %parallel_loop3A_360 : vector<16xf32>
        %parallel_loop3A_362 = arith.constant 4 : i32
        %parallel_loop3A_363 = arith.index_cast %parallel_loop3A_274 : i32 to index
        %parallel_loop3A_364 = arith.index_cast %parallel_loop3A_279 : i32 to index
        %parallel_loop3A_365 = arith.index_cast %parallel_loop3A_362 : i32 to index
        %parallel_loop3A_366 = arith.index_cast %parallel_loop3A_281 : i32 to index
        %parallel_loop3A_367 = tpu.vector_load %arg8[%parallel_loop3A_363, %parallel_loop3A_364, %parallel_loop3A_365, %parallel_loop3A_366] {strides = array<i32>} : memref<2x3x8x128xf32, #tpu.memory_space<vmem>>, vector<16xf32>,
        %parallel_loop3A_368 = arith.mulf %parallel_loop3A_367, %parallel_loop3A_367 : vector<16xf32>
        %parallel_loop3A_369 = arith.mulf %parallel_loop3A_368, %div3A_79 : vector<16xf32>
        %parallel_loop3A_370 = math.exp %parallel_loop3A_369 : vector<16xf32>
        %parallel_loop3A_371 = arith.addf %parallel_loop3A_351, %parallel_loop3A_370 : vector<16xf32>
        %parallel_loop3A_372 = arith.constant 4 : i32
        %parallel_loop3A_373 = arith.index_cast %parallel_loop3A_274 : i32 to index
        %parallel_loop3A_374 = arith.index_cast %parallel_loop3A_279 : i32 to index
        %parallel_loop3A_375 = arith.index_cast %parallel_loop3A_372 : i32 to index
        %parallel_loop3A_376 = arith.index_cast %parallel_loop3A_281 : i32 to index
        %parallel_loop3A_377 = tpu.vector_load %arg10[%parallel_loop3A_373, %parallel_loop3A_374, %parallel_loop3A_375, %parallel_loop3A_376] {strides = array<i32>} : memref<2x3x8x128xf32, #tpu.memory_space<vmem>>, vector<16xf32>,
        %parallel_loop3A_378 = arith.fptosi %parallel_loop3A_377 : vector<16xf32> to vector<16xi32>
        %parallel_loop3A_379 = tpu.vector_load_idx %arg6[%parallel_loop3A_378] : memref<100000xf32, #tpu.memory_space<vmem>>[vector<16xi32>], vector<16xf32>,
        %parallel_loop3A_380 = arith.mulf %parallel_loop3A_370, %parallel_loop3A_379 : vector<16xf32>
        %parallel_loop3A_381 = arith.addf %parallel_loop3A_361, %parallel_loop3A_380 : vector<16xf32>
        %parallel_loop3A_382 = arith.constant 5 : i32
        %parallel_loop3A_383 = arith.index_cast %parallel_loop3A_274 : i32 to index
        %parallel_loop3A_384 = arith.index_cast %parallel_loop3A_279 : i32 to index
        %parallel_loop3A_385 = arith.index_cast %parallel_loop3A_382 : i32 to index
        %parallel_loop3A_386 = arith.index_cast %parallel_loop3A_281 : i32 to index
        %parallel_loop3A_387 = tpu.vector_load %arg8[%parallel_loop3A_383, %parallel_loop3A_384, %parallel_loop3A_385, %parallel_loop3A_386] {strides = array<i32>} : memref<2x3x8x128xf32, #tpu.memory_space<vmem>>, vector<16xf32>,
        %parallel_loop3A_388 = arith.mulf %parallel_loop3A_387, %parallel_loop3A_387 : vector<16xf32>
        %parallel_loop3A_389 = arith.mulf %parallel_loop3A_388, %div3A_79 : vector<16xf32>
        %parallel_loop3A_390 = math.exp %parallel_loop3A_389 : vector<16xf32>
        %parallel_loop3A_391 = arith.addf %parallel_loop3A_371, %parallel_loop3A_390 : vector<16xf32>
        %parallel_loop3A_392 = arith.constant 5 : i32
        %parallel_loop3A_393 = arith.index_cast %parallel_loop3A_274 : i32 to index
        %parallel_loop3A_394 = arith.index_cast %parallel_loop3A_279 : i32 to index
        %parallel_loop3A_395 = arith.index_cast %parallel_loop3A_392 : i32 to index
        %parallel_loop3A_396 = arith.index_cast %parallel_loop3A_281 : i32 to index
        %parallel_loop3A_397 = tpu.vector_load %arg10[%parallel_loop3A_393, %parallel_loop3A_394, %parallel_loop3A_395, %parallel_loop3A_396] {strides = array<i32>} : memref<2x3x8x128xf32, #tpu.memory_space<vmem>>, vector<16xf32>,
        %parallel_loop3A_398 = arith.fptosi %parallel_loop3A_397 : vector<16xf32> to vector<16xi32>
        %parallel_loop3A_399 = tpu.vector_load_idx %arg6[%parallel_loop3A_398] : memref<100000xf32, #tpu.memory_space<vmem>>[vector<16xi32>], vector<16xf32>,
        %parallel_loop3A_400 = arith.mulf %parallel_loop3A_390, %parallel_loop3A_399 : vector<16xf32>
        %parallel_loop3A_401 = arith.addf %parallel_loop3A_381, %parallel_loop3A_400 : vector<16xf32>
        %parallel_loop3A_402 = arith.constant 6 : i32
        %parallel_loop3A_403 = arith.index_cast %parallel_loop3A_274 : i32 to index
        %parallel_loop3A_404 = arith.index_cast %parallel_loop3A_279 : i32 to index
        %parallel_loop3A_405 = arith.index_cast %parallel_loop3A_402 : i32 to index
        %parallel_loop3A_406 = arith.index_cast %parallel_loop3A_281 : i32 to index
        %parallel_loop3A_407 = tpu.vector_load %arg8[%parallel_loop3A_403, %parallel_loop3A_404, %parallel_loop3A_405, %parallel_loop3A_406] {strides = array<i32>} : memref<2x3x8x128xf32, #tpu.memory_space<vmem>>, vector<16xf32>,
        %parallel_loop3A_408 = arith.mulf %parallel_loop3A_407, %parallel_loop3A_407 : vector<16xf32>
        %parallel_loop3A_409 = arith.mulf %parallel_loop3A_408, %div3A_79 : vector<16xf32>
        %parallel_loop3A_410 = math.exp %parallel_loop3A_409 : vector<16xf32>
        %parallel_loop3A_411 = arith.addf %parallel_loop3A_391, %parallel_loop3A_410 : vector<16xf32>
        %parallel_loop3A_412 = arith.constant 6 : i32
        %parallel_loop3A_413 = arith.index_cast %parallel_loop3A_274 : i32 to index
        %parallel_loop3A_414 = arith.index_cast %parallel_loop3A_279 : i32 to index
        %parallel_loop3A_415 = arith.index_cast %parallel_loop3A_412 : i32 to index
        %parallel_loop3A_416 = arith.index_cast %parallel_loop3A_281 : i32 to index
        %parallel_loop3A_417 = tpu.vector_load %arg10[%parallel_loop3A_413, %parallel_loop3A_414, %parallel_loop3A_415, %parallel_loop3A_416] {strides = array<i32>} : memref<2x3x8x128xf32, #tpu.memory_space<vmem>>, vector<16xf32>,
        %parallel_loop3A_418 = arith.fptosi %parallel_loop3A_417 : vector<16xf32> to vector<16xi32>
        %parallel_loop3A_419 = tpu.vector_load_idx %arg6[%parallel_loop3A_418] : memref<100000xf32, #tpu.memory_space<vmem>>[vector<16xi32>], vector<16xf32>,
        %parallel_loop3A_420 = arith.mulf %parallel_loop3A_410, %parallel_loop3A_419 : vector<16xf32>
        %parallel_loop3A_421 = arith.addf %parallel_loop3A_401, %parallel_loop3A_420 : vector<16xf32>
        %parallel_loop3A_422 = arith.constant 7 : i32
        %parallel_loop3A_423 = arith.index_cast %parallel_loop3A_274 : i32 to index
        %parallel_loop3A_424 = arith.index_cast %parallel_loop3A_279 : i32 to index
        %parallel_loop3A_425 = arith.index_cast %parallel_loop3A_422 : i32 to index
        %parallel_loop3A_426 = arith.index_cast %parallel_loop3A_281 : i32 to index
        %parallel_loop3A_427 = tpu.vector_load %arg8[%parallel_loop3A_423, %parallel_loop3A_424, %parallel_loop3A_425, %parallel_loop3A_426] {strides = array<i32>} : memref<2x3x8x128xf32, #tpu.memory_space<vmem>>, vector<16xf32>,
        %parallel_loop3A_428 = arith.mulf %parallel_loop3A_427, %parallel_loop3A_427 : vector<16xf32>
        %parallel_loop3A_429 = arith.mulf %parallel_loop3A_428, %div3A_79 : vector<16xf32>
        %parallel_loop3A_430 = math.exp %parallel_loop3A_429 : vector<16xf32>
        %parallel_loop3A_431 = arith.addf %parallel_loop3A_411, %parallel_loop3A_430 : vector<16xf32>
        %parallel_loop3A_432 = arith.constant 7 : i32
        %parallel_loop3A_433 = arith.index_cast %parallel_loop3A_274 : i32 to index
        %parallel_loop3A_434 = arith.index_cast %parallel_loop3A_279 : i32 to index
        %parallel_loop3A_435 = arith.index_cast %parallel_loop3A_432 : i32 to index
        %parallel_loop3A_436 = arith.index_cast %parallel_loop3A_281 : i32 to index
        %parallel_loop3A_437 = tpu.vector_load %arg10[%parallel_loop3A_433, %parallel_loop3A_434, %parallel_loop3A_435, %parallel_loop3A_436] {strides = array<i32>} : memref<2x3x8x128xf32, #tpu.memory_space<vmem>>, vector<16xf32>,
        %parallel_loop3A_438 = arith.fptosi %parallel_loop3A_437 : vector<16xf32> to vector<16xi32>
        %parallel_loop3A_439 = tpu.vector_load_idx %arg6[%parallel_loop3A_438] : memref<100000xf32, #tpu.memory_space<vmem>>[vector<16xi32>], vector<16xf32>,
        %parallel_loop3A_440 = arith.mulf %parallel_loop3A_430, %parallel_loop3A_439 : vector<16xf32>
        %parallel_loop3A_441 = arith.addf %parallel_loop3A_421, %parallel_loop3A_440 : vector<16xf32>
        %parallel_loop3A_442 = arith.constant 1.000000e-03 : f32
        %parallel_loop3A_443 = vector.broadcast %parallel_loop3A_442 : f32 to vector<16xf32>
        %parallel_loop3A_444 = arith.addf %parallel_loop3A_431, %parallel_loop3A_443 : vector<16xf32>
        %parallel_loop3A_445 = arith.divf %parallel_loop3A_441, %parallel_loop3A_444 : vector<16xf32>
        %parallel_loop3A_446 = arith.constant 0.000000e+00 : f32
        %parallel_loop3A_447 = vector.broadcast %parallel_loop3A_446 : f32 to vector<16xf32>
        %parallel_loop3A_448 = arith.cmpf ogt, %parallel_loop3A_431, %parallel_loop3A_447 : vector<16xf32>
        %parallel_loop3A_449 = arith.constant 0.000000e+00 : f32
        %parallel_loop3A_450 = vector.broadcast %parallel_loop3A_449 : f32 to vector<16xf32>
        %parallel_loop3A_451 = arith.select %parallel_loop3A_448, %parallel_loop3A_445, %parallel_loop3A_450 : vector<16xi1>, vector<16xf32>
        %parallel_loop3A_452 = arith.index_cast %parallel_loop3A_274 : i32 to index
        %parallel_loop3A_453 = arith.index_cast %parallel_loop3A_279 : i32 to index
        %parallel_loop3A_454 = arith.index_cast %parallel_loop3A_281 : i32 to index
        %parallel_loop3A_455 = tpu.vector_load %arg12[%parallel_loop3A_452, %parallel_loop3A_453, %parallel_loop3A_454] {strides = array<i32>} : memref<2x3x128xf32, #tpu.memory_space<vmem>>, vector<16xf32>,
        tpu.vector_store %arg12[%parallel_loop3A_452, %parallel_loop3A_453, %parallel_loop3A_454], %parallel_loop3A_451 {strides = array<i32>} : memref<2x3x128xf32, #tpu.memory_space<vmem>>, vector<16xf32>,
      } {sc.loop_unroll_factor = 2 : i64, sc.parallel_access}
      %mul3A_251 = arith.constant 2 : i32
      %mul3A_252 = arith.muli %add3A_214, %mul3A_251 : i32
      %add3A_253 = arith.addi %mul3A_72, %mul3A_252 : i32
      %dma_start3A_254 = arith.constant 0 : i32
      %dma_start3A_255 = arith.constant 0 : i32
      %dma_start3A_256 = tpu.memref_slice %arg5[%select_n3A_54, %add3A_253, %dma_start3A_254, %select_n3A_9, %dma_start3A_255] : memref<4x384x3x4x128xf32, #tpu.memory_space<hbm>> -> memref<1x2x3x1x128xf32, #tpu.memory_space<hbm>>
      %dma_start3A_257 = tpu.memref_squeeze %dma_start3A_256 : memref<1x2x3x1x128xf32, #tpu.memory_space<hbm>> -> memref<2x3x128xf32, #tpu.memory_space<hbm>>
      %dma_start3A_258 = arith.constant 0 : i32
      %dma_start3A_259 = arith.constant 0 : i32
      %dma_start3A_260 = tpu.memref_slice %arg5[%select_n3A_54, %add3A_253, %dma_start3A_258, %select_n3A_9, %dma_start3A_259] : memref<4x384x3x4x128xf32, #tpu.memory_space<hbm>> -> memref<1x2x3x1x128xf32, #tpu.memory_space<hbm>>
      %dma_start3A_261 = tpu.memref_squeeze %dma_start3A_260 : memref<1x2x3x1x128xf32, #tpu.memory_space<hbm>> -> memref<2x3x128xf32, #tpu.memory_space<hbm>>
      tpu.enqueue_dma source(%arg12 : memref<2x3x128xf32, #tpu.memory_space<vmem>>) target(%dma_start3A_261 : memref<2x3x128xf32, #tpu.memory_space<hbm>>) target_semaphore(%arg19 : memref<!tpu.dma_semaphore, #tpu.memory_space<semaphore_mem>>)
      %add3A_262 = arith.constant 2 : i32
      %add3A_263 = arith.addi %add3A_214, %add3A_262 : i32
      %lt3A_264 = arith.constant 96 : i32
      %lt3A_265 = arith.cmpi slt, %add3A_263, %lt3A_264 : i32
      %convert_element_type3A_266 = arith.extui %lt3A_265 : i1 to i32
      %cond3A_267 = arith.constant 0 : i32
      %cond3A_268 = arith.cmpi ne, %convert_element_type3A_266, %cond3A_267 : i32
      scf.if %cond3A_268 {
        %add3A_269 = arith.constant 2 : i32
        %add3A_270 = arith.addi %add3A_214, %add3A_269 : i32
        %mul3A_271 = arith.constant 2 : i32
        %mul3A_272 = arith.muli %add3A_270, %mul3A_271 : i32
        %add3A_273 = arith.addi %mul3A_72, %mul3A_272 : i32
        %dma_start3A_274 = arith.constant 0 : i32
        %dma_start3A_275 = arith.constant 0 : i32
        %dma_start3A_276 = arith.constant 0 : i32
        %dma_start3A_277 = arith.constant 0 : i32
        %dma_start3A_278 = tpu.memref_slice %arg3[%select_n3A_54, %dma_start3A_274, %add3A_273, %dma_start3A_275, %dma_start3A_276, %dma_start3A_277] : memref<4x2x384x3x8x128xf32, #tpu.memory_space<hbm>> -> memref<1x1x2x3x8x128xf32, #tpu.memory_space<hbm>>
        %dma_start3A_279 = tpu.memref_squeeze %dma_start3A_278 : memref<1x1x2x3x8x128xf32, #tpu.memory_space<hbm>> -> memref<2x3x8x128xf32, #tpu.memory_space<hbm>>
        %dma_start3A_280 = arith.constant 0 : i32
        %dma_start3A_281 = arith.constant 0 : i32
        %dma_start3A_282 = arith.constant 0 : i32
        %dma_start3A_283 = tpu.memref_slice %arg3[%select_n3A_54, %dma_start3A_274, %add3A_273, %dma_start3A_280, %dma_start3A_281, %dma_start3A_282] : memref<4x2x384x3x8x128xf32, #tpu.memory_space<hbm>> -> memref<1x1x2x3x8x128xf32, #tpu.memory_space<hbm>>
        %dma_start3A_284 = tpu.memref_squeeze %dma_start3A_283 : memref<1x1x2x3x8x128xf32, #tpu.memory_space<hbm>> -> memref<2x3x8x128xf32, #tpu.memory_space<hbm>>
        tpu.enqueue_dma source(%dma_start3A_284 : memref<2x3x8x128xf32, #tpu.memory_space<hbm>>) target(%arg8 : memref<2x3x8x128xf32, #tpu.memory_space<vmem>>) target_semaphore(%arg15 : memref<!tpu.dma_semaphore, #tpu.memory_space<semaphore_mem>>)
        %add3A_285 = arith.constant 2 : i32
        %add3A_286 = arith.addi %add3A_214, %add3A_285 : i32
        %mul3A_287 = arith.constant 2 : i32
        %mul3A_288 = arith.muli %add3A_286, %mul3A_287 : i32
        %add3A_289 = arith.addi %mul3A_72, %mul3A_288 : i32
        %dma_start3A_290 = arith.constant 1 : i32
        %dma_start3A_291 = arith.constant 0 : i32
        %dma_start3A_292 = arith.constant 0 : i32
        %dma_start3A_293 = arith.constant 0 : i32
        %dma_start3A_294 = tpu.memref_slice %arg3[%select_n3A_54, %dma_start3A_290, %add3A_289, %dma_start3A_291, %dma_start3A_292, %dma_start3A_293] : memref<4x2x384x3x8x128xf32, #tpu.memory_space<hbm>> -> memref<1x1x2x3x8x128xf32, #tpu.memory_space<hbm>>
        %dma_start3A_295 = tpu.memref_squeeze %dma_start3A_294 : memref<1x1x2x3x8x128xf32, #tpu.memory_space<hbm>> -> memref<2x3x8x128xf32, #tpu.memory_space<hbm>>
        %dma_start3A_296 = arith.constant 0 : i32
        %dma_start3A_297 = arith.constant 0 : i32
        %dma_start3A_298 = arith.constant 0 : i32
        %dma_start3A_299 = tpu.memref_slice %arg3[%select_n3A_54, %dma_start3A_290, %add3A_289, %dma_start3A_296, %dma_start3A_297, %dma_start3A_298] : memref<4x2x384x3x8x128xf32, #tpu.memory_space<hbm>> -> memref<1x1x2x3x8x128xf32, #tpu.memory_space<hbm>>
        %dma_start3A_300 = tpu.memref_squeeze %dma_start3A_299 : memref<1x1x2x3x8x128xf32, #tpu.memory_space<hbm>> -> memref<2x3x8x128xf32, #tpu.memory_space<hbm>>
        tpu.enqueue_dma source(%dma_start3A_300 : memref<2x3x8x128xf32, #tpu.memory_space<hbm>>) target(%arg10 : memref<2x3x8x128xf32, #tpu.memory_space<vmem>>) target_semaphore(%arg17 : memref<!tpu.dma_semaphore, #tpu.memory_space<semaphore_mem>>)
      } else {
      }
    }
    %scan3A_136 = arith.constant 48 : i32
    %add3A_137 = arith.constant 188 : i32
    %add3A_138 = arith.addi %mul3A_72, %add3A_137 : i32
    %dma_wait3A = arith.constant 0 : i32
    %dma_wait3A_139 = arith.constant 0 : i32
    %dma_wait3A_140 = tpu.memref_slice %arg5[%select_n3A_54, %add3A_138, %dma_wait3A, %select_n3A_9, %dma_wait3A_139] : memref<4x384x3x4x128xf32, #tpu.memory_space<hbm>> -> memref<1x2x3x1x128xf32, #tpu.memory_space<hbm>>
    %dma_wait3A_141 = tpu.memref_squeeze %dma_wait3A_140 : memref<1x2x3x1x128xf32, #tpu.memory_space<hbm>> -> memref<2x3x128xf32, #tpu.memory_space<hbm>>
    %dma_wait3A_142 = arith.constant 0 : i32
    %dma_wait3A_143 = arith.constant 0 : i32
    %dma_wait3A_144 = tpu.memref_slice %arg5[%select_n3A_54, %add3A_138, %dma_wait3A_142, %select_n3A_9, %dma_wait3A_143] : memref<4x384x3x4x128xf32, #tpu.memory_space<hbm>> -> memref<1x2x3x1x128xf32, #tpu.memory_space<hbm>>
    %dma_wait3A_145 = tpu.memref_squeeze %dma_wait3A_144 : memref<1x2x3x1x128xf32, #tpu.memory_space<hbm>> -> memref<2x3x128xf32, #tpu.memory_space<hbm>>
    tpu.wait_dma2 semaphore(%arg18 : memref<!tpu.dma_semaphore, #tpu.memory_space<semaphore_mem>>) src(%arg11 : memref<2x3x128xf32, #tpu.memory_space<vmem>>) dst(%dma_wait3A_145 : memref<2x3x128xf32, #tpu.memory_space<hbm>>)
    %add3A_146 = arith.constant 190 : i32
    %add3A_147 = arith.addi %mul3A_72, %add3A_146 : i32
    %dma_wait3A_148 = arith.constant 0 : i32
    %dma_wait3A_149 = arith.constant 0 : i32
    %dma_wait3A_150 = tpu.memref_slice %arg5[%select_n3A_54, %add3A_147, %dma_wait3A_148, %select_n3A_9, %dma_wait3A_149] : memref<4x384x3x4x128xf32, #tpu.memory_space<hbm>> -> memref<1x2x3x1x128xf32, #tpu.memory_space<hbm>>
    %dma_wait3A_151 = tpu.memref_squeeze %dma_wait3A_150 : memref<1x2x3x1x128xf32, #tpu.memory_space<hbm>> -> memref<2x3x128xf32, #tpu.memory_space<hbm>>
    %dma_wait3A_152 = arith.constant 0 : i32
    %dma_wait3A_153 = arith.constant 0 : i32
    %dma_wait3A_154 = tpu.memref_slice %arg5[%select_n3A_54, %add3A_147, %dma_wait3A_152, %select_n3A_9, %dma_wait3A_153] : memref<4x384x3x4x128xf32, #tpu.memory_space<hbm>> -> memref<1x2x3x1x128xf32, #tpu.memory_space<hbm>>
    %dma_wait3A_155 = tpu.memref_squeeze %dma_wait3A_154 : memref<1x2x3x1x128xf32, #tpu.memory_space<hbm>> -> memref<2x3x128xf32, #tpu.memory_space<hbm>>
    tpu.wait_dma2 semaphore(%arg19 : memref<!tpu.dma_semaphore, #tpu.memory_space<semaphore_mem>>) src(%arg12 : memref<2x3x128xf32, #tpu.memory_space<vmem>>) dst(%dma_wait3A_155 : memref<2x3x128xf32, #tpu.memory_space<hbm>>)
    return
  }
}

</mosaic_0001>

<sc_bundles>
// kernel: kernel.3.cloned.1.call-start
scs
__scs_entry_jumppad:
0x0: {  	(pc) =	sbr.rel $0x88, $3  }
0x1: {  	(tag) =	ssettag $0x0;
	lr =	simm.s32 $0x1  }
0x2: {  	[smem:$0x3F9E] =	sst lr;
	_ =	strace $0xD0000000  }
0x3: {  	_ = 	snop  }
0x4: {  	_ = 	snop  }
0x5: {  	_ = 	snop  }
0x6: {  	_ = 	snop  }
0x7: {  	_ = 	snop  }
__scs_overlays_trampoline_lowered:
0x8: {  	[smem:$0x3FAD] =	sst s0  }
0x9: {  	[smem:$0x3FAE] =	sst s1  }
0xa: {  	[smem:$0x3FAF] =	sst s2  }
0xb: {  	[smem:$0x3FB0] =	sst s3  }
0xc: {  	[smem:$0x3FB1] =	sst s4  }
0xd: {  	[smem:$0x3FB2] =	sst s5  }
0xe: {  	[smem:$0x3FB3] =	sst s6  }
0xf: {  	[smem:$0x3FB4] =	sst s7  }
0x10: {  	[smem:$0x3FB5] =	sst s8  }
0x11: {  	[smem:$0x3FB6] =	sst s9;
	s0 =	simm.s32 @!p0 $0x0  }
0x12: {  	s1 =	sld [smem:$0x3F9C];
	s0 =	simm.s32 @p0 $0x1  }
0x13: {  	[smem:$0x3FB7] =	sst s0;
	s0 =	simm.s32 @!p1 $0x0  }
0x14: {  	s2 =	sld [smem:$0x3F9B];
	s0 =	simm.s32 @p1 $0x1  }
0x15: {  	[smem:$0x3FB8] =	sst s0;
	s0 =	simm.s32 @!p2 $0x0  }
0x16: {  	s3 =	sld [smem:$0x3FDB];
	s0 =	simm.s32 @p2 $0x1  }
0x17: {  	s4 =	simm.s32 $0x1BF5;
	[smem:$0x3FBA] =	sst s0  }
0x18: {  	s0 =	sld [smem:$0x3F9D];
	_ =	swait.ge [sflag:s4], $0x0  }
0x19: {  	s7 =	sld [smem:$0x3F9E]  }
0x1a: {  	s8 =	sadd.s32 $0xFFFFE003, lr  }
0x1b: {  	s9 =	sadd.s32 $0xFFFFFEF7, lr;
	s5 =	simm.s32 $0xFFFFFFFF;
	p2 =	slt.u32 s8, $0xFFFFF086  }
0x1c: {  	p1 =	slt.u32 s9, $0xF7A;
	s5 =	simm.s32 @!p2 $0x0  }
0x1d: {  	s5 =	simm.s32 @p1 $0x1;
	p0 =	seq.s32 s7, s2  }
0x1e: {  	s7 =	smul.u32 @!p0 $0xF7A, s2;
	p2 =	seq.s32 @!p0 s5, $0x0  }
0x1f: {  	s9 =	smul.u32 $0xF7A, s1;
	s8 =	simm.s32 @!p0 $0x1BF5;
	p2 =	por !p2, p0  }
0x20: {  	[sflag:s8] =	ssyncset.s32 @!p0 $0xFFFFF086;
	s6 =	sadd.s32 @!p0 s3, s7;
	s7 =	simm.s32 @!p0 $0x108  }
0x21: {  	s3 =	sadd.s32 s3, s9;
	s6 =	sadd.s32 @!p0 $0x88, s6;
	s7 =	simm.s32 @p2 $0x1082  }
0x22: {  	[simem:s7], [sflag:s8] =	dma.local @!p0 [hbm:s6], $0xF7A  }
0x23: {  	s9 =	sor.u32 $0xD0000000, s2;
	s6 =	simm.s32 $0x108;
	_ =	swait.ge @!p0 [sflag:s8], $0x0  }
0x24: {  	s3 =	sadd.s32 $0x88, s3;
	s6 =	simm.s32 @!p1 $0x1082;
	[sflag:s4] =	ssyncset.s32 $0xFFFFF086  }
0x25: {  	[simem:s6], [sflag:s4] =	dma.local [hbm:s3], $0xF7A  }
0x26: {  	[smem:$0x3F9E] =	sst s1;
	(tag) =	ssettag s2;
	_ =	strace s9  }
0x27: {  	s1 =	sld [smem:$0x3FAE]  }
0x28: {  	s2 =	sld [smem:$0x3FAF]  }
0x29: {  	s4 =	sld [smem:$0x3FB1]  }
0x2a: {  	p0 =	seq.s32 s5, $0x0;
	s5 =	sld [smem:$0x3FB2]  }
0x2b: {  	s6 =	sld [smem:$0x3FB3]  }
0x2c: {  	s7 =	sld [smem:$0x3FB4]  }
0x2d: {  	s3 =	simm.s32 $0x108;
	s8 =	sld [smem:$0x3FB5]  }
0x2e: {  	s3 =	simm.s32 @!p0 $0x1082;
	s9 =	sld [smem:$0x3FB6]  }
0x2f: {  	lr =	sadd.s32 s0, s3;
	s0 =	sld [smem:$0x3FAD]  }
0x30: {  	s3 =	sld [smem:$0x3FB0]  }
0x31: {  	[smem:$0x3FB9] =	sst s10  }
0x32: {  	s10 =	sld [smem:$0x3FB7];
	_ =	sdelay $0x3  }
0x33: {  	p0 =	seq.s32 s10, $0x1;
	s10 =	sld [smem:$0x3FB9];
	_ =	sdelay $0x3  }
0x34: {  	[smem:$0x3FB9] =	sst s10  }
0x35: {  	s10 =	sld [smem:$0x3FB8];
	_ =	sdelay $0x3  }
0x36: {  	p1 =	seq.s32 s10, $0x1;
	s10 =	sld [smem:$0x3FB9];
	_ =	sdelay $0x3  }
0x37: {  	[smem:$0x3FB9] =	sst s10  }
0x38: {  	s10 =	sld [smem:$0x3FBA]  }
0x39: {  	_ = 	snop;
	(pc) =	sbr.ind lr, $3  }
0x3a: {  	_ = 	snop  }
0x3b: {  	_ = 	snop  }
0x3c: {  	p2 =	seq.s32 s10, $0x1;
	s10 =	sld [smem:$0x3FB9]  }
0x3d: {  	_ =	shalt  }
0x3e: {  	_ =	shalt  }
0x3f: {  	_ =	shalt  }
0x40: {  	_ =	shalt  }
0x41: {  	_ =	shalt  }
0x42: {  	_ =	shalt  }
0x43: {  	_ =	shalt  }
0x44: {  	_ =	shalt  }
0x45: {  	_ =	shalt  }
0x46: {  	_ =	shalt  }
0x47: {  	_ =	shalt  }
0x48: {  	_ =	shalt  }
0x49: {  	_ =	shalt  }
0x4a: {  	_ =	shalt  }
0x4b: {  	_ =	shalt  }
0x4c: {  	_ =	shalt  }
0x4d: {  	_ =	shalt  }
0x4e: {  	_ =	shalt  }
0x4f: {  	_ =	shalt  }
0x50: {  	_ =	shalt  }
0x51: {  	_ =	shalt  }
0x52: {  	_ =	shalt  }
0x53: {  	_ =	shalt  }
0x54: {  	_ =	shalt  }
0x55: {  	_ =	shalt  }
0x56: {  	_ =	shalt  }
0x57: {  	_ =	shalt  }
0x58: {  	_ =	shalt  }
0x59: {  	_ =	shalt  }
0x5a: {  	_ =	shalt  }
0x5b: {  	_ =	shalt  }
0x5c: {  	_ =	shalt  }
0x5d: {  	_ =	shalt  }
0x5e: {  	_ =	shalt  }
0x5f: {  	_ =	shalt  }
0x60: {  	_ =	shalt  }
0x61: {  	_ =	shalt  }
0x62: {  	_ =	shalt  }
0x63: {  	_ =	shalt  }
0x64: {  	_ =	shalt  }
0x65: {  	_ =	shalt  }
0x66: {  	_ =	shalt  }
0x67: {  	_ =	shalt  }
0x68: {  	_ =	shalt  }
0x69: {  	_ =	shalt  }
0x6a: {  	_ =	shalt  }
0x6b: {  	_ =	shalt  }
0x6c: {  	_ =	shalt  }
0x6d: {  	_ =	shalt  }
0x6e: {  	_ =	shalt  }
0x6f: {  	_ =	shalt  }
0x70: {  	_ =	shalt  }
0x71: {  	_ =	shalt  }
0x72: {  	_ =	shalt  }
0x73: {  	_ =	shalt  }
0x74: {  	_ =	shalt  }
0x75: {  	_ =	shalt  }
0x76: {  	_ =	shalt  }
0x77: {  	_ =	shalt  }
0x78: {  	_ =	shalt  }
0x79: {  	_ =	shalt  }
0x7a: {  	_ =	shalt  }
0x7b: {  	_ =	shalt  }
0x7c: {  	_ =	shalt  }
0x7d: {  	_ =	shalt  }
0x7e: {  	_ =	shalt  }
0x7f: {  	_ =	shalt  }
0x80: {  	_ =	shalt  }
0x81: {  	_ =	shalt  }
0x82: {  	_ =	shalt  }
0x83: {  	_ =	shalt  }
0x84: {  	_ =	shalt  }
0x85: {  	_ =	shalt  }
0x86: {  	_ =	shalt  }
0x87: {  	_ =	shalt  }
.Lfunc_end0:
.L_simem_size_0:
called_computation_lowered:
.L_overlay_start_0:
0x88: {  	s2 =	sld [smem:$0x3FD9]  }
0x89: {  	s3 =	sld [smem:$0x3FFE];
	_ =	sdelay $0x1  }
0x8a: {  	s1 =	srdreg.scid  }
0x8b: {  	s0 =	sand.u32 $0x1, s1  }
0x8c: {  	s17 =	sshll.u32 s0, $0xA;
	s2 =	sadd.s32 s3, s2  }
0x8d: {  	s2 =	sadd.s32 s2, s17  }
0x8e: {  	[smem:$0x3FC5] =	sst s2  }
0x8f: {  	_ = 	snop  }
0x90: {  	s2 =	sld [smem:$0x3FC8]  }
0x91: {  	s18 =	sld [smem:$0x3FD0];
	(tm) =	ssettm $0x1  }
0x92: {  	s4 =	sld [smem:$0x3FFB];
	_ =	sdelay $0x3  }
0x93: {  	_ =	strace s4  }
0x94: {  	s4 =	sld [smem:$0x3FFC];
	_ =	sdelay $0x3  }
0x95: {  	_ =	strace s4  }
0x96: {  	s4 =	sld [smem:$0x3FFD];
	_ =	sdelay $0x3  }
0x97: {  	_ =	strace s4  }
0x98: {  	_ =	strace $0x8FFFFFFF  }
0x99: {  	s19 =	sld [smem:$0x3FDB];
	_ =	sdelay $0x1  }
0x9a: {  	s5 =	simm.s32 $_scs_section_size  }
0x9b: {  	s6 =	simm.s32 $_size__tile_overlayer_lowered;
	s7 =	simm.s32 $_tile_overlayer_lowered  }
0x9c: {  	s22 =	simm.s32 $0x1BFF;
	s21 =	sshll.u32 s7, $0x1;
	s4 =	sadd.s32 s5, s19  }
0x9d: {  	s8 =	simm.s32 $0x0;
	s20 =	sshll.u32 s6, $0x1;
	s6 =	sadd.s32 s21, s4  }
0x9e: {  	[timem:s8], [sflag:s22] =	dma.local [hbm:s6], s20  }
0x9f: {  	_ =	swait.ge [sflag:s22], s20  }
0xa0: {  	s5 =	ssub.s32 $0x0, s20;
	[sflag:s22] =	ssyncset.done $0x0  }
0xa1: {  	[sflag:s22] =	ssyncadd.s32 s5;
	_ =	sdelay $0x1  }
0xa2: {  	s23 =	simm.s32 $0x1B8B  }
0xa3: {  	_ =	swait.ge [sflag:s23], $0x1  }
0xa4: {  	[sflag:s23] =	ssyncset.done $0x0  }
0xa5: {  	s25 =	simm.s32 $0x1B8E;
	s24 =	sld [smem:$0x3FFE];
	[sflag:s23] =	ssyncadd.s32 $0xFFFFFFFF  }
0xa6: {  	s26 =	simm.s32 $execute0_lowered;
	[smem:$0x3FD2] =	sst s25  }
0xa7: {  	s6 =	sshll.u32 s26, $0x1;
	_ =	strace $0x80000046;
	[dreg:$0x1] =	wrdreg $0xFFFFFFFF  }
0xa8: {  	s28 =	simm.s32 $_size_execute0_lowered;
	s4 =	sadd.s32 s4, s6;
	[dreg:$0x0] =	wrdreg $0x0  }
0xa9: {  	s6 =	sshll.u32 s28, $0x1;
	[dreg:$0x2] =	wrdreg s4  }
0xaa: {  	[dreg:$0x3] =	wrdreg s6  }
0xab: {  	[dreg:$0x4] =	wrdreg $0xC0  }
0xac: {  	_ =	task [dreg:s8], $0x5FFFF  }
0xad: {  	[dreg:$0x1] =	wrdreg $0xFFFFFFFF  }
0xae: {  	[dreg:$0x0] =	wrdreg $0x60  }
0xaf: {  	[dreg:$0x2] =	wrdreg s24  }
0xb0: {  	[dreg:$0x3] =	wrdreg s2  }
0xb1: {  	[dreg:$0x4] =	wrdreg s18  }
0xb2: {  	[dreg:$0x5] =	wrdreg $0x9  }
0xb3: {  	_ =	task.clear_ibuf [dreg:s8], $0x6FFFF;
	_ =	strace $0x90000046  }
0xb4: {  	s29 =	simm.s32 $0x9;
	_ =	strace $0x80000048  }
0xb5: {  	_ =	swait.ge [sflag:s29], $0x1  }
0xb6: {  	[sflag:s29] =	ssyncadd.s32 $0xFFFFFFFF  }
0xb7: {  	_ =	strace $0x90000048  }
0xb8: {  	_ =	sfence  }
0xb9: {  	s30 =	sld [smem:$0x0];
	_ =	sdelay $0x2  }
0xba: {  	s31 =	sshll.u32 s1, $0xD;
	s1 =	sshrl.u32 s1, $0x2  }
0xbb: {  	s3 =	sand.u32 $0x4000, s31;
	s1 =	sadd.s32 s1, s30  }
0xbc: {  	s0 =	sor.u32 s3, s0;
	s1 =	sshll.u32 s1, $0x11  }
0xbd: {  	s0 =	sor.u32 s1, s0  }
0xbe: {  	s0 =	sadd.s32 $0x8F2B, s0  }
0xbf: {  	[sflag:s0] =	ssyncadd.remote.s32 $0x1  }
0xc0: {  	_ =	sfence.sel $0xFFFF  }
0xc1: {  	[dreg:$0x0] =	wrdreg $0xFFFFFFFF;
	(pc) =	sbr.abs _section_cstart, $3  }
0xc2: {  	[dreg:$0x1] =	wrdreg $0xFFFFFFFF  }
0xc3: {  	_ =	task.clear_ibuf [dreg:s8], $0x2FFFF;
	_ =	strace $0x9FFFFFFF  }
0xc4: {  	(tm) =	ssettm $0x7FFFFFFF  }
0xc5: {  	_ =	shalt  }
tec
execute0_lowered:
.L_overlay_start_1:
0x0: {  	(tag) =	ssettag $0x1  }
0x1: {  	s0 =	rddreg [dreg:$0x0]  }
0x2: {  	s5 =	stileid.u32;
	s2 =	rddreg [dreg:$0x1]  }
0x3: {  	s1 =	srdreg.scid;
	s3 =	rddreg [dreg:$0x2];
	s28 =	simm.s32 $0x200  }
0x4: {  	s29 =	simm.s32 $0x1E6A0;
	s30 =	simm.s32 $0x2;
	s31 =	simm.s32 $0x4  }
0x5: {  	s4 =	sshll.u32 s5, $0x1;
	s1 =	sand.u32 $0x1, s1;
	s9 =	sshrl.u32 s5, $0x2  }
0x6: {  	s17 =	sshll.u32 s5, $0x1E;
	s4 =	sand.u32 $0x2, s4;
	s6 =	smul.u32 $0x240000, s9  }
0x7: {  	s18 =	sshra.s32 s17, $0x1F;
	s9 =	smul.u32 $0x90000, s9;
	s7 =	sor.u32 s1, s4  }
0x8: {  	s4 =	simm.s32 $0x0;
	s5 =	sand.u32 $0xC0, s18;
	s8 =	smul.u32 $0x30D4, s7  }
0x9: {  	s1 =	ssub.s32 $0x2, s1;
	[smem:$0x7FF] =	sst s4;
	s10 =	smul.u32 $0xC00, s5  }
0xa: {  	s19 =	sshrl.u32 s1, $0x1;
	s24 =	sshll.u32 s7, $0x7;
	s14 =	sor.u32 $0x4, s5  }
0xb: {  	s15 =	sor.u32 $0x2, s5;
	s16 =	sor.u32 $0x6, s5;
	_ =	strace $0x80000047  }
0xc: {  	s13 =	sor.u32 s24, s9;
	s8 =	sadd.s32 s8, s0;
	s0 =	sadd.s32 $0xC800, s0  }
0xd: {  	s24 =	simm.s32 $0x1;
	s10 =	sadd.s32 s6, s10;
	[dreg:$0x4] =	wrdreg s0  }
0xe: {  	s0 =	ssub.s32 s1, s19;
	s20 =	sadd.s32 $0x400, s8;
	s22 =	sshrl.u32 s10, $0x3  }
0xf: {  	s21 =	sor.u32 $0x1800, s10;
	[dreg:$0x5] =	wrdreg s20;
	s8 =	sadd.s32 s2, s22  }
.Ltmp0:
0x10: {  	s0 =	smax.u32 s0, $0x1;
	[dreg:$0x6] =	wrdreg s8;
	(pc) =	sbr.rel .LBB2_1-.Ltmp0, $4  }
0x11: {  	s1 =	sshrl.u32 s21, $0x3;
	s25 =	sadd.s32 $0x24000, s8;
	[dreg:$0xa] =	wrdreg s0  }
0x12: {  	s23 =	sadd.s32 s2, s1;
	s1 =	simm.s32 $0x1E9A0;
	[dreg:$0x8] =	wrdreg s25  }
0x13: {  	s8 =	simm.s32 $0x0;
	[dreg:$0x7] =	wrdreg s23;
	s26 =	sadd.s32 $0x24000, s23  }
0x14: {  	s25 =	simm.s32 $0x3;
	[dreg:$0x9] =	wrdreg s26;
	s26 =	simm.s32 $0x80  }
.LBB2_8:
0x15: {  	s0 =	simm.s32 $0x5  }
0x16: {  	_ =	swait.ge [sflag:s0], $0x300  }
0x17: {  	[sflag:s0] =	ssyncset.done $0x0  }
0x18: {  	s7 =	simm.s32 $0x6;
	[sflag:s0] =	ssyncadd.s32 $0xFFFFFD00  }
0x19: {  	_ =	swait.ge [sflag:s7], $0x300  }
0x1a: {  	s8 =	rddreg [dreg:$0xb]  }
0x1b: {  	s23 =	rddreg [dreg:$0xa];
	s8 =	sadd.s32 $0x1, s8  }
0x1c: {  	p0 =	sne.s32 s8, s23  }
.Ltmp1:
0x1d: {  	_ = 	snop;
	(pc) =	sbr.rel @!p0 .LBB2_9-.Ltmp1, $3  }
0x1e: {  	_ =	sdelay $0x1  }
0x1f: {  	[sflag:s7] =	ssyncset.done $0x0  }
0x20: {  	[sflag:s7] =	ssyncadd.s32 $0xFFFFFD00  }
.LBB2_1:
0x21: {  	[dreg:$0xb] =	wrdreg s8  }
0x22: {  	s0 =	rddreg [dreg:$0x5];
	s7 =	simm.s32 $0x7  }
0x23: {  	[tilespmem:s4], [sflag:$0x7] =	stream.linear.gather [hbm4b:s0+s4], $0x186A0, $0x38;
	[tilespmem:$0x1ECB0] =	vst v63  }
0x24: {  	_ =	swait.ge [sflag:s7], $0x186A0  }
0x25: {  	[sflag:s7] =	ssyncset.done $0x0  }
0x26: {  	s11 =	simm.s32 $0x1ECA0;
	s10 =	rddreg [dreg:$0x4];
	[sflag:s7] =	ssyncadd.s32 $0xFFFE7960  }
0x27: {  	[tilespmem:s11], [sflag:$0x7] =	stream.linear.gather [hbm4b:s10+s4], $0x10, $0x38;
	[tilespmem:$0x1ECB0] =	vst v63  }
0x28: {  	_ =	swait.ge [sflag:s7], $0x10  }
0x29: {  	[sflag:s7] =	ssyncset.done $0x0  }
0x2a: {  	[sflag:s7] =	ssyncadd.s32 $0xFFFFFFF0  }
0x2b: {  	v0 =	vld [tilespmem:$0x1ECA0];
	_ =	sdelay $0x4  }
0x2c: {  	v0 =	vmul.f32 v0, v0;
	_ =	sdelay $0x1  }
0x2d: {  	(erf) = vrcp.f32 v0;
	_ =	sdelay $0x2  }
0x2e: {  	s17 =	simm.s32 $0x186A0;
	s12 =	rddreg [dreg:$0x6]  }
0x2f: {  	[tilespmem:s17], [sflag:$0x1] =	stream.linear.gather [hbm4b:s12+s4], $0x1800, $0x38;
	[tilespmem:$0x1ECB0] =	vst v63  }
0x30: {  	s19 =	simm.s32 $0x1B6A0;
	s18 =	rddreg [dreg:$0x8]  }
0x31: {  	[tilespmem:s19], [sflag:$0x3] =	stream.linear.gather [hbm4b:s18+s4], $0x1800, $0x38;
	[tilespmem:$0x1ECB0] =	vst v63  }
0x32: {  	s21 =	simm.s32 $0x19EA0;
	s20 =	rddreg [dreg:$0x7]  }
0x33: {  	[tilespmem:s21], [sflag:$0x2] =	stream.linear.gather [hbm4b:s20+s4], $0x1800, $0x38;
	[tilespmem:$0x1ECB0] =	vst v63  }
0x34: {  	s23 =	simm.s32 $0x1CEA0;
	s22 =	rddreg [dreg:$0x9];
	s21 =	simm.s32 $0x0;
	v0 =	vpop (erf)  }
0x35: {  	[tilespmem:s23], [sflag:$0x4] =	stream.linear.gather [hbm4b:s22+s4], $0x1800, $0x38;
	v0 =	vmul.f32 $-5.000000000e-01, v0;
	[tilespmem:$0x1ECB0] =	vst v63  }
.LBB2_2:
0x36: {  	_ =	swait.ge [sflag:s24], $0x1800  }
0x37: {  	p1 =	por $0x0, $0x0;
	s0 =	simm.s32 $0x180;
	[sflag:s24] =	ssyncset.done $0x0  }
0x38: {  	p0 =	seq.s32 s21, $0x0;
	s0 =	simm.s32 @!p1 $0x0;
	[sflag:s24] =	ssyncadd.s32 $0xFFFFE800  }
0x39: {  	s9 =	simm.s32 $0xC00;
	s7 =	sshll.u32 s0, $0x3;
	_ =	swait.ge [sflag:s25], $0x1800  }
0x3a: {  	s10 =	simm.s32 @!p0 $0x5;
	s7 =	ssub.s32 $0x0, s7;
	[sflag:s25] =	ssyncset.done $0x0  }
0x3b: {  	s9 =	simm.s32 @!p1 $0x0;
	s7 =	sand.u32 $0xFFFFFC00, s7;
	[sflag:s25] =	ssyncadd.s32 $0xFFFFE800  }
0x3c: {  	s8 =	simm.s32 $0x0;
	s7 =	sadd.s32 s9, s7;
	_ =	swait.ge @!p0 [sflag:s10], $0x300  }
0x3d: {  	s19 =	sand.u32 $0x60, s8;
	s11 =	sor.u32 s7, s8;
	[sflag:s10] =	ssyncset.done @!p0 $0x0  }
0x3e: {  	s20 =	sor.u32 $0x10, s19;
	s12 =	sor.u32 $0x380, s11;
	[sflag:s10] =	ssyncadd.s32 @!p0 $0xFFFFFD00  }
0x3f: {  	s22 =	sor.u32 s20, s7;
	v1 =	vld [tilespmem:s12+$0x1B6A0]  }
0x40: {  	s7 =	sor.u32 s19, s7;
	v2 =	vld [tilespmem:s22+$0x1B9A0]  }
0x41: {  	v3 =	vld [tilespmem:s7+$0x1B8A0]  }
0x42: {  	v4 =	vld [tilespmem:s7+$0x188A0]  }
0x43: {  	v5 =	vld [tilespmem:s22+$0x1B8A0]  }
0x44: {  	v7 =	vld [tilespmem:s22+$0x1B7A0]  }
0x45: {  	v8 =	vld [tilespmem:s22+$0x1B720]  }
0x46: {  	v9 =	vld [tilespmem:s7+$0x1B6A0]  }
0x47: {  	v14 =	vld [tilespmem:s22+$0x186A0]  }
0x48: {  	v3 =	vtrunc.f32 v3;
	v10 =	vmul.f32 v4, v4  }
0x49: {  	v6 =	vld [tilespmem:s22+$0x1B820];
	v4 =	vtrunc.f32 v5;
	v1 =	vtrunc.f32 v1  }
0x4a: {  	v7 =	vtrunc.f32 v7;
	v8 =	vtrunc.f32 v8  }
0x4b: {  	v16 =	vld [tilespmem:s7+$0x18720];
	v9 =	vtrunc.f32 v9;
	v15 =	vtrunc.f32 v2  }
0x4c: {  	v5 =	vld [tilespmem:s22+$0x187A0];
	v14 =	vmul.f32 v14, v14;
	v11 =	vcvt.f32.s32 v3  }
0x4d: {  	v3 =	vld [tilespmem:s22+$0x1B6A0];
	v12 =	vcvt.f32.s32 v4;
	v13 =	vcvt.f32.s32 v1  }
0x4e: {  	v4 =	vld [tilespmem:s7+$0x187A0];
	v1 =	vtrunc.f32 v6;
	v2 =	vcvt.f32.s32 v9  }
0x4f: {  	v9 =	vld [tilespmem:s7+$0x1B7A0];
	v14 =	vmul.f32 v14, v0;
	v10 =	vmul.f32 v10, v0  }
0x50: {  	v6 =	vld [tilespmem:s22+$0x18820];
	v8 =	vcvt.f32.s32 v8;
	v1 =	vcvt.f32.s32 v1  }
0x51: {  	v18 =	vld [tilespmem:s7+$0x18820];
	v14 =	vmul.f32 $1.442695020e+00, v14;
	v10 =	vmul.f32 $1.442695020e+00, v10  }
0x52: {  	v17 =	vtrunc.f32 v3;
	v3 =	vmul.f32 v5, v5  }
0x53: {  	v5 =	vmul.f32 v4, v4;
	v4 =	vcvt.f32.s32 v7  }
0x54: {  	v7 =	vmul.f32 v16, v16;
	v16 =	vld [tilespmem:s22+$0x18920];
	v9 =	vtrunc.f32 v9  }
0x55: {  	v19 =	vld [tilespmem:s22+$0x189A0];
	v6 =	vmul.f32 v6, v6;
	v21 =	vcvt.f32.s32 v9  }
0x56: {  	v9 =	vmul.f32 v18, v18;
	v3 =	vmul.f32 v3, v0  }
0x57: {  	v18 =	vld [tilespmem:s7+$0x186A0];
	v6 =	vmul.f32 v6, v0;
	v5 =	vmul.f32 v5, v0  }
0x58: {  	v7 =	vmul.f32 v7, v0;
	v20 =	vmul.f32 $1.442695020e+00, v3;
	v3 =	vld [tilespmem:s22+$0x18720]  }
0x59: {  	v23 =	vld [tilespmem:s7+$0x18920];
	v22 =	vmul.f32 v9, v0;
	v16 =	vmul.f32 v16, v16  }
0x5a: {  	v9 =	vmul.f32 $1.442695020e+00, v6;
	v6 =	vmul.f32 v19, v19  }
0x5b: {  	v5 =	vmul.f32 $1.442695020e+00, v5;
	v16 =	vmul.f32 v16, v0  }
0x5c: {  	v18 =	vmul.f32 v18, v18;
	v6 =	vmul.f32 v6, v0  }
0x5d: {  	v3 =	vmul.f32 v3, v3;
	v24 =	vmul.f32 $1.442695020e+00, v16  }
0x5e: {  	v16 =	vmul.f32 v18, v0;
	v18 =	vmul.f32 v23, v23  }
0x5f: {  	v19 =	vmul.f32 $1.442695020e+00, v22;
	v22 =	vld [tilespmem:s7+$0x189A0];
	v25 =	vmul.f32 v3, v0  }
0x60: {  	v26 =	vld [tilespmem:s22+$0x188A0];
	v3 =	vmul.f32 $1.442695020e+00, v6;
	v6 =	vmul.f32 v18, v0  }
0x61: {  	v30 =	vld [tilespmem:s7+$0x1B9A0];
	v28 =	vmul.f32 $1.442695020e+00, v7;
	(erf) = vpow2.f32 v5  }
0x62: {  	v18 =	vld [tilespmem:s7+$0x1B820];
	(erf) = vpow2.f32 v3;
	v27 =	vmul.f32 $1.442695020e+00, v6  }
0x63: {  	v6 =	vmul.f32 $1.442695020e+00, v16;
	v16 =	vld [tilespmem:s7+$0x1B920];
	(erf) = vpow2.f32 v14  }
0x64: {  	v11 =	vld.idx.msk [tilespmem:v11+s4+$0x0], $0xffff;
	v22 =	vmul.f32 v22, v22;
	(erf) = vpow2.f32 v20  }
0x65: {  	v12 =	vld.idx.msk [tilespmem:v12+s4+$0x0], $0xffff;
	v14 =	vcvt.f32.s32 v15;
	(erf) = vpow2.f32 v6  }
0x66: {  	v7 =	vld.idx.msk [tilespmem:v13+s4+$0x0], $0xffff;
	v15 =	vmul.f32 v22, v0;
	v22 =	vcvt.f32.s32 v17  }
0x67: {  	v5 =	vld [tilespmem:s22+$0x1BA20];
	v6 =	vtrunc.f32 v18;
	(erf) = vpow2.f32 v10  }
0x68: {  	v18 =	vld [tilespmem:s12+$0x186A0];
	v29 =	vcvt.f32.s32 v6;
	v6 =	vtrunc.f32 v16  }
0x69: {  	v23 =	vld [tilespmem:s7+$0x1B720];
	v15 =	vmul.f32 $1.442695020e+00, v15;
	(erf) = vpow2.f32 v24  }
0x6a: {  	s23 =	ssub.s32 $0x0, s0;
	v10 =	vld.idx.msk [tilespmem:v8+s4+$0x0], $0xffff;
	v8 =	vpop (erf);
	(erf) = vpow2.f32 v19;
	v19 =	vmul.f32 v26, v26  }
0x6b: {  	s11 =	sand.u32 $0xFFFFFF80, s23;
	v3 =	vld.idx.msk [tilespmem:v21+s4+$0x0], $0xffff;
	v24 =	vtrunc.f32 v30;
	v16 =	vcvt.f32.s32 v6;
	v6 =	vpop (erf)  }
0x6c: {  	s0 =	sadd.s32 s11, s0;
	v21 =	vld [tilespmem:s22+$0x18A20];
	v26 =	vmul.f32 $1.442695020e+00, v25;
	(erf) = vpow2.f32 v28;
	v17 =	vpop (erf)  }
0x6d: {  	s11 =	sadd.s32 $0x1E6A0, s0;
	s0 =	simm.s32 $0x20;
	s7 =	sshll.u32 s21, $0x2;
	v20 =	vld [tilespmem:s22+$0x1B920];
	v18 =	vmul.f32 v18, v18;
	(erf) = vpow2.f32 v15;
	v13 =	vpop (erf)  }
0x6e: {  	s17 =	sadd.s32 s19, s11;
	s11 =	sadd.s32 s20, s11;
	s12 =	sadd.s32 s5, s7;
	v25 =	vmul.f32 v19, v0;
	v15 =	vld.idx.msk [tilespmem:v29+s4+$0x0], $0xffff;
	(erf) = vpow2.f32 v27;
	v19 =	vpop (erf)  }
.LBB2_3:
0x6f: {  	p2 =	sgt.u32 s0, $0x17F;
	s8 =	sadd.s32 $0x100, s8  }
0x70: {  	v23 =	vtrunc.f32 v23;
	v24 =	vcvt.f32.s32 v24;
	v22 =	vld.idx.msk [tilespmem:v22+s4+$0x0], $0xffff;
	v27 =	vpop (erf);
	s18 =	smov.u32 s0;
	s9 =	sadd.s32 $0x20, s0;
	s10 =	simm.s32 $0x180  }
0x71: {  	p1 =	slt.u32 s0, $0x2E0;
	s10 =	simm.s32 @!p2 $0x0;
	v23 =	vcvt.f32.s32 v23;
	v14 =	vld.idx.msk [tilespmem:v14+s4+$0x0], $0xffff;
	(erf) = vpow2.f32 v26  }
0x72: {  	v20 =	vtrunc.f32 v20;
	v21 =	vmul.f32 v21, v21;
	s0 =	ssub.s32 s18, s10;
	s19 =	sshll.u32 s10, $0x3;
	v4 =	vld.idx.msk [tilespmem:v4+s4+$0x0], $0xffff  }
0x73: {  	s22 =	simm.s32 $0xC00;
	v30 =	vmul.f32 $1.442695020e+00, v25;
	v20 =	vcvt.f32.s32 v20;
	s19 =	ssub.s32 s8, s19;
	s0 =	sand.u32 $0xFFFFFF80, s0;
	v16 =	vld.idx.msk [tilespmem:v16+s4+$0x0], $0xffff;
	v26 =	vpop (erf)  }
0x74: {  	s20 =	sand.u32 $0x60, s18;
	s22 =	simm.s32 @!p2 $0x0;
	v21 =	vmul.f32 v21, v0;
	s19 =	sand.u32 $0xFFFFFC00, s19;
	v1 =	vld.idx.msk [tilespmem:v1+s4+$0x0], $0xffff;
	v28 =	vpop (erf);
	(erf) = vpow2.f32 v9  }
0x75: {  	v5 =	vtrunc.f32 v5;
	s23 =	sor.u32 $0x10, s20;
	s19 =	sadd.s32 s22, s19;
	s22 =	sadd.s32 s0, s10;
	v2 =	vld.idx.msk [tilespmem:v2+s4+$0x0], $0xffff;
	v29 =	vpop (erf);
	(erf) = vpow2.f32 v30  }
0x76: {  	v5 =	vcvt.f32.s32 v5;
	v21 =	vmul.f32 $1.442695020e+00, v21;
	s10 =	sor.u32 s20, s19;
	s18 =	sor.u32 s19, s18;
	s0 =	sor.u32 s23, s19;
	v24 =	vld.idx.msk [tilespmem:v24+s4+$0x0], $0xffff;
	v25 =	vpop (erf)  }
0x77: {  	v30 =	vadd.f32 $0.0e+00, v19;
	v22 =	vmul.f32 v17, v22;
	v9 =	vmul.f32 v6, v14;
	s19 =	sor.u32 $0x380, s18;
	s18 =	sadd.s32 $0x1E6A0, s22;
	v23 =	vld.idx.msk [tilespmem:v23+s4+$0x0], $0xffff  }
0x78: {  	v35 =	vmul.f32 v18, v0;
	v17 =	vadd.f32 $0.0e+00, v17;
	v4 =	vmul.f32 v13, v4;
	v14 =	vld [tilespmem:s19+$0x1B6A0];
	s20 =	sadd.s32 s20, s18;
	s18 =	sadd.s32 s23, s18;
	v31 =	vpop (erf)  }
0x79: {  	v30 =	vadd.f32 v29, v30;
	v22 =	vadd.f32 $0.0e+00, v22;
	v32 =	vld [tilespmem:s0+$0x1B9A0];
	v16 =	vmul.f32 v31, v16  }
0x7a: {  	v34 =	vmul.f32 v28, v15;
	v15 =	vmul.f32 $1.442695020e+00, v35;
	v33 =	vld [tilespmem:s10+$0x1B8A0];
	v18 =	vpop (erf)  }
0x7b: {  	v2 =	vmul.f32 v19, v2;
	v19 =	vadd.f32 v8, v30;
	v10 =	vmul.f32 v18, v10;
	v20 =	vld.idx.msk [tilespmem:v20+s4+$0x0], $0xffff  }
0x7c: {  	v24 =	vmul.f32 v25, v24;
	v17 =	vadd.f32 v18, v17;
	v5 =	vld.idx.msk [tilespmem:v5+s4+$0x0], $0xffff;
	(erf) = vpow2.f32 v15  }
0x7d: {  	v18 =	vmul.f32 v29, v23;
	v19 =	vadd.f32 v28, v19;
	v15 =	vld [tilespmem:s10+$0x188A0];
	v23 =	vpop (erf);
	(erf) = vpow2.f32 v21  }
0x7e: {  	v2 =	vadd.f32 $0.0e+00, v2;
	v28 =	vmul.f32 v27, v11;
	v17 =	vadd.f32 v13, v17;
	v21 =	vld [tilespmem:s0+$0x1B8A0];
	v29 =	vpop (erf)  }
0x7f: {  	v11 =	vtrunc.f32 v33;
	v30 =	vld [tilespmem:s0+$0x1B820];
	v33 =	vmul.f32 v23, v1  }
0x80: {  	v1 =	vadd.f32 v27, v19;
	v17 =	vadd.f32 v23, v17;
	v11 =	vcvt.f32.s32 v11;
	v13 =	vld [tilespmem:s0+$0x188A0]  }
0x81: {  	v3 =	vmul.f32 v8, v3;
	v8 =	vmul.f32 v29, v12;
	v19 =	vld [tilespmem:s0+$0x1B7A0]  }
0x82: {  	v20 =	vmul.f32 v26, v20;
	v1 =	vadd.f32 v31, v1;
	v23 =	vmul.f32 v15, v15;
	v27 =	vld [tilespmem:s0+$0x1B720]  }
0x83: {  	v14 =	vtrunc.f32 v14;
	v17 =	vadd.f32 v29, v17;
	v31 =	vld [tilespmem:s10+$0x1B6A0];
	v12 =	vtrunc.f32 v21  }
0x84: {  	v10 =	vadd.f32 v10, v22;
	v35 =	vadd.f32 v25, v1;
	v21 =	vld [tilespmem:s0+$0x1B6A0];
	v12 =	vcvt.f32.s32 v12  }
0x85: {  	v15 =	vcvt.f32.s32 v14;
	v17 =	vadd.f32 v26, v17;
	v22 =	vtrunc.f32 v30;
	v14 =	vld [tilespmem:s0+$0x187A0];
	v25 =	vpop (erf)  }
0x86: {  	v26 =	vld [tilespmem:s10+$0x187A0];
	v19 =	vtrunc.f32 v19;
	v29 =	vadd.f32 v25, v35;
	v7 =	vmul.f32 v25, v7;
	v1 =	vpop (erf)  }
0x87: {  	v2 =	vadd.f32 v18, v2;
	v6 =	vadd.f32 v6, v17;
	v25 =	vld [tilespmem:s10+$0x18820];
	v17 =	vmul.f32 v1, v5  }
0x88: {  	v18 =	vtrunc.f32 v27;
	v5 =	vtrunc.f32 v31;
	v27 =	vld [tilespmem:s0+$0x18820];
	v30 =	vadd.f32 $1.000000050e-03, v29  }
0x89: {  	v32 =	vtrunc.f32 v32;
	v6 =	vadd.f32 v1, v6;
	v18 =	vcvt.f32.s32 v18;
	v31 =	vld [tilespmem:s0+$0x186A0]  }
0x8a: {  	v1 =	vadd.f32 v3, v2;
	v36 =	vtrunc.f32 v21;
	v35 =	vld [tilespmem:s10+$0x18720];
	v14 =	vmul.f32 v14, v14  }
0x8b: {  	v3 =	vadd.f32 v4, v10;
	v2 =	vcvt.f32.s32 v5;
	v10 =	vadd.f32 $1.000000050e-03, v6;
	v5 =	vld [tilespmem:s0+$0x1BA20]  }
0x8c: {  	v34 =	vadd.f32 v34, v1;
	v21 =	vmul.f32 v26, v26;
	v26 =	vld [tilespmem:s10+$0x1B7A0];
	(erf) = vrcp.f32 v30  }
0x8d: {  	v1 =	vcvt.f32.s32 v22;
	v3 =	vadd.f32 v33, v3;
	v27 =	vmul.f32 v27, v27  }
0x8e: {  	v4 =	vcvt.f32.s32 v19;
	v19 =	vadd.f32 v28, v34;
	v22 =	vmul.f32 v31, v31  }
0x8f: {  	v3 =	vadd.f32 v8, v3;
	v14 =	vmul.f32 v14, v0;
	v27 =	vmul.f32 v27, v0  }
0x90: {  	v16 =	vadd.f32 v16, v19;
	v8 =	vmul.f32 v35, v35;
	v22 =	vmul.f32 v22, v0  }
0x91: {  	v19 =	vmul.f32 v21, v0;
	v3 =	vadd.f32 v20, v3;
	v21 =	vtrunc.f32 v26;
	v26 =	vld [tilespmem:s0+$0x18920]  }
0x92: {  	v20 =	vmul.f32 $1.442695020e+00, v14;
	v16 =	vadd.f32 v24, v16;
	v14 =	vld [tilespmem:s0+$0x189A0];
	(erf) = vrcp.f32 v10  }
0x93: {  	v9 =	vadd.f32 v9, v3;
	v10 =	vcvt.f32.s32 v21;
	v21 =	vmul.f32 v25, v25;
	v24 =	vld [tilespmem:s0+$0x18720]  }
0x94: {  	v19 =	vmul.f32 $1.442695020e+00, v19;
	v7 =	vadd.f32 v7, v16;
	v22 =	vmul.f32 $1.442695020e+00, v22;
	v25 =	vld [tilespmem:s10+$0x186A0]  }
0x95: {  	v8 =	vmul.f32 v8, v0;
	v17 =	vadd.f32 v17, v9;
	v16 =	vmul.f32 v21, v0;
	v3 =	vpop (erf)  }
0x96: {  	v21 =	vmul.f32 v26, v26;
	v3 =	vmul.f32 v3, v7  }
0x97: {  	vm0 =	vgt.f32 v29, $0.0e+00;
	v9 =	vmul.f32 $1.442695020e+00, v27;
	v7 =	vld [tilespmem:s10+$0x18920];
	v14 =	vmul.f32 v14, v14  }
0x98: {  	v24 =	vmul.f32 v24, v24;
	v21 =	vmul.f32 v21, v0;
	v3 =	vnsel vm0, $0x0, v3  }
0x99: {  	v23 =	vmul.f32 v23, v0;
	v25 =	vmul.f32 v25, v25;
	[tilespmem:s17+$0x0] =	vst v3;
	s17 =	smov.u32 s20  }
0x9a: {  	v26 =	vmul.f32 $1.442695020e+00, v16;
	v16 =	vld [tilespmem:s10+$0x189A0];
	v27 =	vmul.f32 $1.442695020e+00, v21  }
0x9b: {  	v21 =	vmul.f32 v25, v0;
	v3 =	vld.idx.msk [tilespmem:v10+s4+$0x0], $0xffff;
	v10 =	vmul.f32 v14, v0;
	v14 =	vpop (erf)  }
0x9c: {  	v7 =	vmul.f32 v7, v7;
	v14 =	vmul.f32 v14, v17  }
0x9d: {  	vm0 =	vgt.f32 v6, $0.0e+00;
	v25 =	vmul.f32 v24, v0;
	v10 =	vmul.f32 $1.442695020e+00, v10  }
0x9e: {  	v6 =	vmul.f32 v7, v0;
	(erf) = vpow2.f32 v19;
	v7 =	vnsel vm0, $0x0, v14  }
0x9f: {  	v17 =	vld [tilespmem:s10+$0x1B820];
	v16 =	vmul.f32 v16, v16;
	(erf) = vpow2.f32 v10;
	[tilespmem:s11+$0x0] =	vst v7;
	s11 =	smov.u32 s18  }
0xa0: {  	v28 =	vmul.f32 $1.442695020e+00, v6;
	(erf) = vpow2.f32 v22  }
0xa1: {  	v7 =	vmul.f32 $1.442695020e+00, v23;
	v6 =	vmul.f32 $1.442695020e+00, v21;
	v19 =	vld [tilespmem:s10+$0x1B920]  }
0xa2: {  	v14 =	vcvt.f32.s32 v32;
	(erf) = vpow2.f32 v20  }
0xa3: {  	v24 =	vmul.f32 v16, v0;
	v21 =	vld [tilespmem:s0+$0x18A20];
	(erf) = vpow2.f32 v6  }
0xa4: {  	v6 =	vtrunc.f32 v17;
	v17 =	vld [tilespmem:s19+$0x186A0];
	(erf) = vpow2.f32 v7  }
0xa5: {  	v29 =	vmul.f32 $1.442695020e+00, v8;
	v30 =	vcvt.f32.s32 v6;
	v10 =	vld.idx.msk [tilespmem:v18+s4+$0x0], $0xffff  }
0xa6: {  	v22 =	vcvt.f32.s32 v36;
	v7 =	vtrunc.f32 v19;
	v19 =	vld [tilespmem:s10+$0x1B9A0]  }
0xa7: {  	v16 =	vcvt.f32.s32 v7;
	v20 =	vld [tilespmem:s0+$0x1B920];
	v8 =	vpop (erf);
	(erf) = vpow2.f32 v27  }
.Ltmp2:
0xa8: {  	v24 =	vmul.f32 $1.442695020e+00, v24;
	v23 =	vld [tilespmem:s10+$0x1B720];
	(erf) = vpow2.f32 v26;
	v6 =	vpop (erf);
	(pc) =	sbr.rel @p1 .LBB2_3-.Ltmp2, $4  }
0xa9: {  	v18 =	vmul.f32 v17, v17;
	v7 =	vld.idx.msk [tilespmem:v15+s4+$0x0], $0xffff;
	(erf) = vpow2.f32 v29;
	v17 =	vpop (erf)  }
0xaa: {  	v27 =	vmul.f32 v13, v13;
	v11 =	vld.idx.msk [tilespmem:v11+s4+$0x0], $0xffff;
	(erf) = vpow2.f32 v24  }
0xab: {  	v26 =	vmul.f32 $1.442695020e+00, v25;
	v15 =	vld.idx.msk [tilespmem:v30+s4+$0x0], $0xffff;
	v24 =	vtrunc.f32 v19;
	v13 =	vpop (erf)  }
0xac: {  	s0 =	smov.u32 s9;
	v25 =	vmul.f32 v27, v0;
	v12 =	vld.idx.msk [tilespmem:v12+s4+$0x0], $0xffff;
	v19 =	vpop (erf);
	(erf) = vpow2.f32 v28  }
0xad: {  	(erf) = vpow2.f32 v26;
	_ =	sdelay $0x2  }
0xae: {  	v26 =	vpop (erf);
	v25 =	vmul.f32 $1.442695020e+00, v25  }
0xaf: {  	(erf) = vpow2.f32 v9;
	v27 =	vpop (erf)  }
0xb0: {  	v21 =	vmul.f32 v21, v21;
	v29 =	vadd.f32 $0.0e+00, v19;
	v18 =	vmul.f32 v18, v0;
	v9 =	vpop (erf)  }
0xb1: {  	v23 =	vtrunc.f32 v23;
	v28 =	vpop (erf);
	(erf) = vpow2.f32 v25  }
0xb2: {  	v23 =	vcvt.f32.s32 v23;
	v18 =	vmul.f32 $1.442695020e+00, v18;
	v25 =	vpop (erf);
	v29 =	vadd.f32 v28, v29  }
0xb3: {  	v30 =	vadd.f32 $0.0e+00, v17;
	v21 =	vmul.f32 v21, v0;
	v31 =	vpop (erf)  }
0xb4: {  	(erf) = vpow2.f32 v18;
	v18 =	vadd.f32 v8, v29;
	v32 =	vpop (erf)  }
0xb5: {  	v2 =	vld.idx.msk [tilespmem:v2+s4+$0x0], $0xffff;
	v21 =	vmul.f32 $1.442695020e+00, v21;
	v30 =	vadd.f32 v32, v30  }
0xb6: {  	v18 =	vadd.f32 v9, v18  }
0xb7: {  	v22 =	vld.idx.msk [tilespmem:v22+s4+$0x0], $0xffff;
	(erf) = vpow2.f32 v21;
	v21 =	vadd.f32 v13, v30  }
0xb8: {  	v23 =	vld.idx.msk [tilespmem:v23+s4+$0x0], $0xffff;
	v60 =	vpop (erf);
	v18 =	vadd.f32 v26, v18  }
0xb9: {  	v21 =	vadd.f32 v60, v21  }
0xba: {  	v20 =	vtrunc.f32 v20;
	v2 =	vmul.f32 v19, v2;
	v19 =	vpop (erf);
	v18 =	vadd.f32 v31, v18  }
0xbb: {  	v24 =	vcvt.f32.s32 v24;
	v4 =	vld.idx.msk [tilespmem:v4+s4+$0x0], $0xffff;
	v20 =	vcvt.f32.s32 v20;
	v21 =	vadd.f32 v19, v21  }
0xbc: {  	v5 =	vtrunc.f32 v5;
	v17 =	vmul.f32 v17, v22;
	v18 =	vadd.f32 v25, v18  }
0xbd: {  	v1 =	vld.idx.msk [tilespmem:v1+s4+$0x0], $0xffff;
	v2 =	vadd.f32 $0.0e+00, v2;
	v22 =	vmul.f32 v28, v23;
	v21 =	vadd.f32 v27, v21  }
0xbe: {  	v5 =	vcvt.f32.s32 v5;
	v17 =	vadd.f32 $0.0e+00, v17;
	v10 =	vmul.f32 v32, v10  }
0xbf: {  	v3 =	vmul.f32 v8, v3;
	v2 =	vadd.f32 v22, v2;
	v23 =	vpop (erf);
	v21 =	vadd.f32 v6, v21  }
0xc0: {  	v16 =	vld.idx.msk [tilespmem:v16+s4+$0x0], $0xffff;
	v4 =	vmul.f32 v13, v4;
	v10 =	vadd.f32 v10, v17;
	v8 =	vadd.f32 v23, v18;
	v18 =	vpop (erf)  }
0xc1: {  	v9 =	vmul.f32 v9, v15;
	v15 =	vld.idx.msk [tilespmem:v20+s4+$0x0], $0xffff;
	v2 =	vadd.f32 v3, v2;
	v13 =	vadd.f32 v18, v21  }
0xc2: {  	v1 =	vmul.f32 v60, v1;
	v4 =	vadd.f32 v4, v10;
	v3 =	vld.idx.msk [tilespmem:v24+s4+$0x0], $0xffff;
	v17 =	vadd.f32 $1.000000050e-03, v8  }
0xc3: {  	v14 =	vld.idx.msk [tilespmem:v14+s4+$0x0], $0xffff;
	v11 =	vmul.f32 v26, v11;
	v2 =	vadd.f32 v9, v2;
	v10 =	vadd.f32 $1.000000050e-03, v13  }
0xc4: {  	v5 =	vld.idx.msk [tilespmem:v5+s4+$0x0], $0xffff;
	v1 =	vadd.f32 v1, v4;
	v9 =	vmul.f32 v19, v12;
	(erf) = vrcp.f32 v17  }
0xc5: {  	v4 =	vmul.f32 v31, v16;
	v2 =	vadd.f32 v11, v2;
	(erf) = vrcp.f32 v10  }
0xc6: {  	v1 =	vadd.f32 v9, v1  }
0xc7: {  	v3 =	vmul.f32 v25, v3;
	v2 =	vadd.f32 v4, v2;
	v10 =	vmul.f32 v27, v15  }
0xc8: {  	v4 =	vmul.f32 v6, v14  }
0xc9: {  	v2 =	vadd.f32 v3, v2;
	v3 =	vmul.f32 v18, v5;
	v1 =	vadd.f32 v10, v1  }
0xca: {  	v6 =	vmul.f32 v23, v7  }
0xcb: {  	v1 =	vadd.f32 v4, v1  }
0xcc: {  	v2 =	vadd.f32 v6, v2  }
0xcd: {  	v1 =	vadd.f32 v3, v1;
	v3 =	vpop (erf)  }
0xce: {  	s0 =	smul.u32 $0x600, s12;
	v2 =	vmul.f32 v3, v2;
	v3 =	vpop (erf)  }
0xcf: {  	vm0 =	vgt.f32 v8, $0.0e+00;
	v1 =	vmul.f32 v3, v1  }
0xd0: {  	p1 =	seq.s32 s21, $0x2F;
	s0 =	sadd.s32 s13, s0;
	vm15 =	vgt.f32 v13, $0.0e+00;
	v2 =	vnsel vm0, $0x0, v2  }
0xd1: {  	s8 =	sadd.s32 @!p1 s7, s14;
	s0 =	sshrl.u32 s0, $0x3;
	[tilespmem:s17+$0x0] =	vst v2;
	v1 =	vnsel vm15, $0x0, v1  }
0xd2: {  	s8 =	smul.u32 @!p1 $0xC00, s8;
	s0 =	sadd.s32 s3, s0;
	[tilespmem:s11+$0x0] =	vst v1  }
0xd3: {  	[hbm4b:s0+s26] =	stream.strided.scatter [tilespmem:s29], [sflag:$0x5], $0x300, s28, s26, $0x38;
	[tilespmem:$0x1ECB0] =	vst v63  }
0xd4: {  	s0 =	sadd.s32 @!p1 s6, s8  }
0xd5: {  	s0 =	sshrl.u32 @!p1 s0, $0x3  }
0xd6: {  	s9 =	simm.s32 @!p1 $0x186A0;
	s8 =	simm.s32 @!p1 $0x0;
	s0 =	sadd.s32 @!p1 s2, s0  }
0xd7: {  	[tilespmem:s9], [sflag:$0x1] =	stream.linear.gather @!p1 [hbm4b:s0+s8], $0x1800, $0x38;
	[tilespmem:$0x1ECB0] =	vst v63  }
0xd8: {  	s0 =	sadd.s32 @!p1 $0x24000, s0;
	s9 =	simm.s32 @!p1 $0x1B6A0  }
0xd9: {  	[tilespmem:s9], [sflag:$0x3] =	stream.linear.gather @!p1 [hbm4b:s0+s8], $0x1800, $0x38;
	[tilespmem:$0x1ECB0] =	vst v63  }
0xda: {  	_ =	swait.ge [sflag:s30], $0x1800  }
0xdb: {  	p2 =	por $0x0, $0x0;
	s0 =	simm.s32 $0x180;
	[sflag:s30] =	ssyncset.done $0x0  }
0xdc: {  	s0 =	simm.s32 @!p2 $0x0;
	[sflag:s30] =	ssyncadd.s32 $0xFFFFE800  }
0xdd: {  	s10 =	simm.s32 @!p0 $0x6;
	s11 =	sshll.u32 s0, $0x3;
	_ =	swait.ge [sflag:s31], $0x1800  }
0xde: {  	s9 =	simm.s32 $0xC00;
	s8 =	ssub.s32 $0x0, s11;
	[sflag:s31] =	ssyncset.done $0x0  }
0xdf: {  	s9 =	simm.s32 @!p2 $0x0;
	s12 =	sand.u32 $0xFFFFFC00, s8;
	[sflag:s31] =	ssyncadd.s32 $0xFFFFE800  }
0xe0: {  	s8 =	simm.s32 $0x0;
	s11 =	sadd.s32 s9, s12;
	_ =	swait.ge @!p0 [sflag:s10], $0x300  }
0xe1: {  	s9 =	sand.u32 $0x60, s8;
	s17 =	sor.u32 s11, s8;
	[sflag:s10] =	ssyncset.done @!p0 $0x0  }
0xe2: {  	s18 =	sor.u32 $0x10, s9;
	s19 =	sor.u32 $0x380, s17;
	[sflag:s10] =	ssyncadd.s32 @!p0 $0xFFFFFD00  }
0xe3: {  	s20 =	sor.u32 s18, s11;
	v1 =	vld [tilespmem:s19+$0x1CEA0]  }
0xe4: {  	s11 =	sor.u32 s9, s11;
	v2 =	vld [tilespmem:s20+$0x1D1A0]  }
0xe5: {  	v3 =	vld [tilespmem:s11+$0x1D0A0]  }
0xe6: {  	v4 =	vld [tilespmem:s11+$0x1A0A0]  }
0xe7: {  	v5 =	vld [tilespmem:s20+$0x1D0A0]  }
0xe8: {  	v7 =	vld [tilespmem:s20+$0x1CFA0]  }
0xe9: {  	v8 =	vld [tilespmem:s20+$0x1CF20]  }
0xea: {  	v9 =	vld [tilespmem:s11+$0x1CEA0]  }
0xeb: {  	v14 =	vld [tilespmem:s20+$0x19EA0]  }
0xec: {  	v3 =	vtrunc.f32 v3;
	v10 =	vmul.f32 v4, v4  }
0xed: {  	v6 =	vld [tilespmem:s20+$0x1D020];
	v4 =	vtrunc.f32 v5;
	v1 =	vtrunc.f32 v1  }
0xee: {  	v16 =	vld [tilespmem:s11+$0x19F20];
	v7 =	vtrunc.f32 v7;
	v8 =	vtrunc.f32 v8  }
0xef: {  	v5 =	vld [tilespmem:s20+$0x19FA0];
	v9 =	vtrunc.f32 v9;
	v15 =	vtrunc.f32 v2  }
0xf0: {  	v14 =	vmul.f32 v14, v14;
	v11 =	vcvt.f32.s32 v3;
	v3 =	vld [tilespmem:s20+$0x1CEA0]  }
0xf1: {  	v12 =	vcvt.f32.s32 v4;
	v4 =	vld [tilespmem:s11+$0x19FA0];
	v13 =	vcvt.f32.s32 v1  }
0xf2: {  	v1 =	vtrunc.f32 v6;
	v6 =	vld [tilespmem:s20+$0x1A020];
	v8 =	vcvt.f32.s32 v8  }
0xf3: {  	v2 =	vcvt.f32.s32 v9;
	v9 =	vld [tilespmem:s11+$0x1CFA0];
	v14 =	vmul.f32 v14, v0  }
0xf4: {  	v18 =	vld [tilespmem:s11+$0x1A020];
	v1 =	vcvt.f32.s32 v1;
	v10 =	vmul.f32 v10, v0  }
0xf5: {  	v14 =	vmul.f32 $1.442695020e+00, v14;
	v17 =	vtrunc.f32 v3  }
0xf6: {  	v3 =	vmul.f32 v5, v5;
	v5 =	vmul.f32 v4, v4  }
0xf7: {  	v6 =	vmul.f32 v6, v6;
	v4 =	vcvt.f32.s32 v7  }
0xf8: {  	v7 =	vmul.f32 v16, v16;
	v16 =	vld [tilespmem:s20+$0x1A120];
	v9 =	vtrunc.f32 v9  }
0xf9: {  	v19 =	vld [tilespmem:s20+$0x1A1A0];
	v21 =	vcvt.f32.s32 v9;
	v9 =	vmul.f32 v18, v18  }
0xfa: {  	v3 =	vmul.f32 v3, v0;
	v6 =	vmul.f32 v6, v0  }
0xfb: {  	v18 =	vld [tilespmem:s11+$0x19EA0];
	v5 =	vmul.f32 v5, v0;
	v7 =	vmul.f32 v7, v0  }
0xfc: {  	v22 =	vmul.f32 v9, v0;
	v20 =	vmul.f32 $1.442695020e+00, v3;
	v3 =	vld [tilespmem:s20+$0x19F20]  }
0xfd: {  	v23 =	vld [tilespmem:s11+$0x1A120];
	v5 =	vmul.f32 $1.442695020e+00, v5;
	v16 =	vmul.f32 v16, v16  }
0xfe: {  	v9 =	vmul.f32 $1.442695020e+00, v6;
	v6 =	vmul.f32 v19, v19  }
0xff: {  	v19 =	vmul.f32 $1.442695020e+00, v22;
	v16 =	vmul.f32 v16, v0  }
0x100: {  	v18 =	vmul.f32 v18, v18;
	v6 =	vmul.f32 v6, v0  }
0x101: {  	v3 =	vmul.f32 v3, v3;
	v24 =	vmul.f32 $1.442695020e+00, v16  }
0x102: {  	v16 =	vmul.f32 v18, v0;
	v18 =	vmul.f32 v23, v23  }
0x103: {  	v22 =	vld [tilespmem:s11+$0x1A1A0];
	(erf) = vpow2.f32 v5;
	v25 =	vmul.f32 v3, v0  }
0x104: {  	v3 =	vmul.f32 $1.442695020e+00, v6;
	v6 =	vmul.f32 v18, v0;
	v18 =	vld [tilespmem:s11+$0x1D020]  }
0x105: {  	v26 =	vld [tilespmem:s20+$0x1A0A0];
	v10 =	vmul.f32 $1.442695020e+00, v10;
	v61 =	vmul.f32 $1.442695020e+00, v7  }
0x106: {  	v63 =	vld [tilespmem:s11+$0x1D1A0];
	(erf) = vpow2.f32 v3;
	v27 =	vmul.f32 $1.442695020e+00, v6  }
0x107: {  	v6 =	vmul.f32 $1.442695020e+00, v16;
	v16 =	vld [tilespmem:s11+$0x1D120];
	(erf) = vpow2.f32 v14  }
0x108: {  	v11 =	vld.idx.msk [tilespmem:v11+s4+$0x0], $0xffff;
	v22 =	vmul.f32 v22, v22;
	(erf) = vpow2.f32 v20  }
0x109: {  	(erf) = vpow2.f32 v6;
	v6 =	vtrunc.f32 v18;
	v18 =	vld [tilespmem:s19+$0x19EA0]  }
0x10a: {  	v12 =	vld.idx.msk [tilespmem:v12+s4+$0x0], $0xffff;
	v14 =	vcvt.f32.s32 v15;
	v15 =	vmul.f32 v22, v0  }
0x10b: {  	v7 =	vld.idx.msk [tilespmem:v13+s4+$0x0], $0xffff;
	(erf) = vpow2.f32 v10;
	v62 =	vcvt.f32.s32 v6  }
0x10c: {  	v5 =	vld [tilespmem:s20+$0x1D220];
	v6 =	vtrunc.f32 v16;
	(erf) = vpow2.f32 v24  }
0x10d: {  	v22 =	vcvt.f32.s32 v17;
	v10 =	vld.idx.msk [tilespmem:v8+s4+$0x0], $0xffff;
	v8 =	vpop (erf);
	(erf) = vpow2.f32 v19  }
0x10e: {  	s22 =	ssub.s32 $0x0, s0;
	v23 =	vld [tilespmem:s11+$0x1CF20];
	v19 =	vmul.f32 v18, v18;
	v18 =	vmul.f32 v26, v26  }
0x10f: {  	s23 =	sand.u32 $0xFFFFFF80, s22;
	v3 =	vld.idx.msk [tilespmem:v21+s4+$0x0], $0xffff;
	v15 =	vmul.f32 $1.442695020e+00, v15;
	v16 =	vcvt.f32.s32 v6;
	v6 =	vpop (erf)  }
0x110: {  	s0 =	sadd.s32 s23, s0;
	v21 =	vld [tilespmem:s20+$0x1A220];
	v24 =	vtrunc.f32 v63;
	(erf) = vpow2.f32 v61;
	v17 =	vpop (erf)  }
0x111: {  	s12 =	sadd.s32 s7, s15;
	s11 =	sadd.s32 $0x1E9A0, s0;
	v20 =	vld [tilespmem:s20+$0x1D120];
	v26 =	vmul.f32 $1.442695020e+00, v25;
	(erf) = vpow2.f32 v15;
	v13 =	vpop (erf)  }
0x112: {  	s0 =	simm.s32 $0x20;
	s17 =	sadd.s32 s9, s11;
	s11 =	sadd.s32 s18, s11;
	v15 =	vld.idx.msk [tilespmem:v62+s4+$0x0], $0xffff;
	v25 =	vmul.f32 v18, v0;
	(erf) = vpow2.f32 v27;
	v18 =	vpop (erf)  }
.LBB2_5:
0x113: {  	p2 =	sgt.u32 s0, $0x17F;
	s8 =	sadd.s32 $0x100, s8  }
0x114: {  	v23 =	vtrunc.f32 v23;
	v24 =	vcvt.f32.s32 v24;
	v22 =	vld.idx.msk [tilespmem:v22+s4+$0x0], $0xffff;
	v27 =	vpop (erf);
	s18 =	smov.u32 s0;
	s9 =	sadd.s32 $0x20, s0;
	s10 =	simm.s32 $0x180  }
0x115: {  	p0 =	slt.u32 s0, $0x2E0;
	s10 =	simm.s32 @!p2 $0x0;
	v23 =	vcvt.f32.s32 v23;
	v14 =	vld.idx.msk [tilespmem:v14+s4+$0x0], $0xffff;
	(erf) = vpow2.f32 v26  }
0x116: {  	v20 =	vtrunc.f32 v20;
	v21 =	vmul.f32 v21, v21;
	s0 =	ssub.s32 s18, s10;
	s19 =	sshll.u32 s10, $0x3;
	v4 =	vld.idx.msk [tilespmem:v4+s4+$0x0], $0xffff  }
0x117: {  	s22 =	simm.s32 $0xC00;
	v30 =	vmul.f32 $1.442695020e+00, v25;
	v20 =	vcvt.f32.s32 v20;
	s19 =	ssub.s32 s8, s19;
	s0 =	sand.u32 $0xFFFFFF80, s0;
	v16 =	vld.idx.msk [tilespmem:v16+s4+$0x0], $0xffff;
	v26 =	vpop (erf)  }
0x118: {  	s20 =	sand.u32 $0x60, s18;
	s22 =	simm.s32 @!p2 $0x0;
	v21 =	vmul.f32 v21, v0;
	s19 =	sand.u32 $0xFFFFFC00, s19;
	v1 =	vld.idx.msk [tilespmem:v1+s4+$0x0], $0xffff;
	v28 =	vpop (erf);
	(erf) = vpow2.f32 v9  }
0x119: {  	v5 =	vtrunc.f32 v5;
	s23 =	sor.u32 $0x10, s20;
	s19 =	sadd.s32 s22, s19;
	s22 =	sadd.s32 s0, s10;
	v2 =	vld.idx.msk [tilespmem:v2+s4+$0x0], $0xffff;
	v29 =	vpop (erf);
	(erf) = vpow2.f32 v30  }
0x11a: {  	v5 =	vcvt.f32.s32 v5;
	v21 =	vmul.f32 $1.442695020e+00, v21;
	s10 =	sor.u32 s20, s19;
	s18 =	sor.u32 s19, s18;
	s0 =	sor.u32 s23, s19;
	v24 =	vld.idx.msk [tilespmem:v24+s4+$0x0], $0xffff;
	v25 =	vpop (erf)  }
0x11b: {  	v30 =	vadd.f32 $0.0e+00, v18;
	v22 =	vmul.f32 v17, v22;
	v9 =	vmul.f32 v6, v14;
	s19 =	sor.u32 $0x380, s18;
	s18 =	sadd.s32 $0x1E9A0, s22;
	v23 =	vld.idx.msk [tilespmem:v23+s4+$0x0], $0xffff  }
0x11c: {  	v35 =	vmul.f32 v19, v0;
	v17 =	vadd.f32 $0.0e+00, v17;
	v4 =	vmul.f32 v13, v4;
	v14 =	vld [tilespmem:s19+$0x1CEA0];
	s20 =	sadd.s32 s20, s18;
	s18 =	sadd.s32 s23, s18;
	v31 =	vpop (erf)  }
0x11d: {  	v30 =	vadd.f32 v29, v30;
	v22 =	vadd.f32 $0.0e+00, v22;
	v32 =	vld [tilespmem:s0+$0x1D1A0];
	v16 =	vmul.f32 v31, v16  }
0x11e: {  	v34 =	vmul.f32 v28, v15;
	v15 =	vmul.f32 $1.442695020e+00, v35;
	v33 =	vld [tilespmem:s10+$0x1D0A0];
	v19 =	vpop (erf)  }
0x11f: {  	v2 =	vmul.f32 v18, v2;
	v18 =	vadd.f32 v8, v30;
	v10 =	vmul.f32 v19, v10;
	v20 =	vld.idx.msk [tilespmem:v20+s4+$0x0], $0xffff  }
0x120: {  	v24 =	vmul.f32 v25, v24;
	v17 =	vadd.f32 v19, v17;
	v5 =	vld.idx.msk [tilespmem:v5+s4+$0x0], $0xffff;
	(erf) = vpow2.f32 v15  }
0x121: {  	v19 =	vmul.f32 v29, v23;
	v18 =	vadd.f32 v28, v18;
	v15 =	vld [tilespmem:s10+$0x1A0A0];
	v23 =	vpop (erf);
	(erf) = vpow2.f32 v21  }
0x122: {  	v2 =	vadd.f32 $0.0e+00, v2;
	v28 =	vmul.f32 v27, v11;
	v17 =	vadd.f32 v13, v17;
	v21 =	vld [tilespmem:s0+$0x1D0A0];
	v29 =	vpop (erf)  }
0x123: {  	v11 =	vtrunc.f32 v33;
	v30 =	vld [tilespmem:s0+$0x1D020];
	v33 =	vmul.f32 v23, v1  }
0x124: {  	v1 =	vadd.f32 v27, v18;
	v17 =	vadd.f32 v23, v17;
	v11 =	vcvt.f32.s32 v11;
	v13 =	vld [tilespmem:s0+$0x1A0A0]  }
0x125: {  	v3 =	vmul.f32 v8, v3;
	v8 =	vmul.f32 v29, v12;
	v18 =	vld [tilespmem:s0+$0x1CFA0]  }
0x126: {  	v20 =	vmul.f32 v26, v20;
	v1 =	vadd.f32 v31, v1;
	v23 =	vmul.f32 v15, v15;
	v27 =	vld [tilespmem:s0+$0x1CF20]  }
0x127: {  	v14 =	vtrunc.f32 v14;
	v17 =	vadd.f32 v29, v17;
	v31 =	vld [tilespmem:s10+$0x1CEA0];
	v12 =	vtrunc.f32 v21  }
0x128: {  	v10 =	vadd.f32 v10, v22;
	v35 =	vadd.f32 v25, v1;
	v21 =	vld [tilespmem:s0+$0x1CEA0];
	v12 =	vcvt.f32.s32 v12  }
0x129: {  	v15 =	vcvt.f32.s32 v14;
	v17 =	vadd.f32 v26, v17;
	v22 =	vtrunc.f32 v30;
	v14 =	vld [tilespmem:s0+$0x19FA0];
	v25 =	vpop (erf)  }
0x12a: {  	v26 =	vld [tilespmem:s10+$0x19FA0];
	v18 =	vtrunc.f32 v18;
	v29 =	vadd.f32 v25, v35;
	v7 =	vmul.f32 v25, v7;
	v1 =	vpop (erf)  }
0x12b: {  	v2 =	vadd.f32 v19, v2;
	v6 =	vadd.f32 v6, v17;
	v25 =	vld [tilespmem:s10+$0x1A020];
	v17 =	vmul.f32 v1, v5  }
0x12c: {  	v19 =	vtrunc.f32 v27;
	v5 =	vtrunc.f32 v31;
	v27 =	vld [tilespmem:s0+$0x1A020];
	v30 =	vadd.f32 $1.000000050e-03, v29  }
0x12d: {  	v32 =	vtrunc.f32 v32;
	v6 =	vadd.f32 v1, v6;
	v19 =	vcvt.f32.s32 v19;
	v31 =	vld [tilespmem:s0+$0x19EA0]  }
0x12e: {  	v1 =	vadd.f32 v3, v2;
	v36 =	vtrunc.f32 v21;
	v35 =	vld [tilespmem:s10+$0x19F20];
	v14 =	vmul.f32 v14, v14  }
0x12f: {  	v3 =	vadd.f32 v4, v10;
	v2 =	vcvt.f32.s32 v5;
	v10 =	vadd.f32 $1.000000050e-03, v6;
	v5 =	vld [tilespmem:s0+$0x1D220]  }
0x130: {  	v34 =	vadd.f32 v34, v1;
	v21 =	vmul.f32 v26, v26;
	v26 =	vld [tilespmem:s10+$0x1CFA0];
	(erf) = vrcp.f32 v30  }
0x131: {  	v1 =	vcvt.f32.s32 v22;
	v3 =	vadd.f32 v33, v3;
	v27 =	vmul.f32 v27, v27  }
0x132: {  	v4 =	vcvt.f32.s32 v18;
	v18 =	vadd.f32 v28, v34;
	v22 =	vmul.f32 v31, v31  }
0x133: {  	v3 =	vadd.f32 v8, v3;
	v14 =	vmul.f32 v14, v0;
	v27 =	vmul.f32 v27, v0  }
0x134: {  	v16 =	vadd.f32 v16, v18;
	v8 =	vmul.f32 v35, v35;
	v22 =	vmul.f32 v22, v0  }
0x135: {  	v18 =	vmul.f32 v21, v0;
	v3 =	vadd.f32 v20, v3;
	v21 =	vtrunc.f32 v26;
	v26 =	vld [tilespmem:s0+$0x1A120]  }
0x136: {  	v20 =	vmul.f32 $1.442695020e+00, v14;
	v16 =	vadd.f32 v24, v16;
	v14 =	vld [tilespmem:s0+$0x1A1A0];
	(erf) = vrcp.f32 v10  }
0x137: {  	v9 =	vadd.f32 v9, v3;
	v10 =	vcvt.f32.s32 v21;
	v21 =	vmul.f32 v25, v25;
	v24 =	vld [tilespmem:s0+$0x19F20]  }
0x138: {  	v18 =	vmul.f32 $1.442695020e+00, v18;
	v7 =	vadd.f32 v7, v16;
	v22 =	vmul.f32 $1.442695020e+00, v22;
	v25 =	vld [tilespmem:s10+$0x19EA0]  }
0x139: {  	v8 =	vmul.f32 v8, v0;
	v17 =	vadd.f32 v17, v9;
	v16 =	vmul.f32 v21, v0;
	v3 =	vpop (erf)  }
0x13a: {  	v21 =	vmul.f32 v26, v26;
	v3 =	vmul.f32 v3, v7  }
0x13b: {  	vm0 =	vgt.f32 v29, $0.0e+00;
	v9 =	vmul.f32 $1.442695020e+00, v27;
	v7 =	vld [tilespmem:s10+$0x1A120];
	v14 =	vmul.f32 v14, v14  }
0x13c: {  	v24 =	vmul.f32 v24, v24;
	v21 =	vmul.f32 v21, v0;
	v3 =	vnsel vm0, $0x0, v3  }
0x13d: {  	v23 =	vmul.f32 v23, v0;
	v25 =	vmul.f32 v25, v25;
	[tilespmem:s17+$0x0] =	vst v3;
	s17 =	smov.u32 s20  }
0x13e: {  	v26 =	vmul.f32 $1.442695020e+00, v16;
	v16 =	vld [tilespmem:s10+$0x1A1A0];
	v27 =	vmul.f32 $1.442695020e+00, v21  }
0x13f: {  	v21 =	vmul.f32 v25, v0;
	v3 =	vld.idx.msk [tilespmem:v10+s4+$0x0], $0xffff;
	v10 =	vmul.f32 v14, v0;
	v14 =	vpop (erf)  }
0x140: {  	v7 =	vmul.f32 v7, v7;
	v14 =	vmul.f32 v14, v17  }
0x141: {  	vm0 =	vgt.f32 v6, $0.0e+00;
	v25 =	vmul.f32 v24, v0;
	v10 =	vmul.f32 $1.442695020e+00, v10  }
0x142: {  	v6 =	vmul.f32 v7, v0;
	(erf) = vpow2.f32 v18;
	v7 =	vnsel vm0, $0x0, v14  }
0x143: {  	v17 =	vld [tilespmem:s10+$0x1D020];
	v16 =	vmul.f32 v16, v16;
	(erf) = vpow2.f32 v10;
	[tilespmem:s11+$0x0] =	vst v7;
	s11 =	smov.u32 s18  }
0x144: {  	v28 =	vmul.f32 $1.442695020e+00, v6;
	(erf) = vpow2.f32 v22  }
0x145: {  	v7 =	vmul.f32 $1.442695020e+00, v23;
	v6 =	vmul.f32 $1.442695020e+00, v21;
	v18 =	vld [tilespmem:s10+$0x1D120]  }
0x146: {  	v14 =	vcvt.f32.s32 v32;
	(erf) = vpow2.f32 v20  }
0x147: {  	v24 =	vmul.f32 v16, v0;
	v21 =	vld [tilespmem:s0+$0x1A220];
	(erf) = vpow2.f32 v6  }
0x148: {  	v6 =	vtrunc.f32 v17;
	v17 =	vld [tilespmem:s19+$0x19EA0];
	(erf) = vpow2.f32 v7  }
0x149: {  	v29 =	vmul.f32 $1.442695020e+00, v8;
	v30 =	vcvt.f32.s32 v6;
	v10 =	vld.idx.msk [tilespmem:v19+s4+$0x0], $0xffff  }
0x14a: {  	v22 =	vcvt.f32.s32 v36;
	v7 =	vtrunc.f32 v18;
	v18 =	vld [tilespmem:s10+$0x1D1A0]  }
0x14b: {  	v16 =	vcvt.f32.s32 v7;
	v20 =	vld [tilespmem:s0+$0x1D120];
	v8 =	vpop (erf);
	(erf) = vpow2.f32 v27  }
.Ltmp3:
0x14c: {  	v24 =	vmul.f32 $1.442695020e+00, v24;
	v23 =	vld [tilespmem:s10+$0x1CF20];
	(erf) = vpow2.f32 v26;
	v6 =	vpop (erf);
	(pc) =	sbr.rel @p0 .LBB2_5-.Ltmp3, $4  }
0x14d: {  	v19 =	vmul.f32 v17, v17;
	v7 =	vld.idx.msk [tilespmem:v15+s4+$0x0], $0xffff;
	(erf) = vpow2.f32 v29;
	v17 =	vpop (erf)  }
0x14e: {  	v27 =	vmul.f32 v13, v13;
	v11 =	vld.idx.msk [tilespmem:v11+s4+$0x0], $0xffff;
	(erf) = vpow2.f32 v24  }
0x14f: {  	v26 =	vmul.f32 $1.442695020e+00, v25;
	v15 =	vld.idx.msk [tilespmem:v30+s4+$0x0], $0xffff;
	v24 =	vtrunc.f32 v18;
	v13 =	vpop (erf)  }
0x150: {  	s0 =	smov.u32 s9;
	v25 =	vmul.f32 v27, v0;
	v12 =	vld.idx.msk [tilespmem:v12+s4+$0x0], $0xffff;
	v18 =	vpop (erf);
	(erf) = vpow2.f32 v28  }
0x151: {  	(erf) = vpow2.f32 v26;
	_ =	sdelay $0x2  }
0x152: {  	v43 =	vpop (erf)  }
0x153: {  	v25 =	vmul.f32 $1.442695020e+00, v25;
	v27 =	vpop (erf);
	(erf) = vpow2.f32 v9  }
0x154: {  	v21 =	vmul.f32 v21, v21;
	v44 =	vpop (erf)  }
0x155: {  	v23 =	vtrunc.f32 v23;
	(erf) = vpow2.f32 v25;
	v28 =	vpop (erf)  }
0x156: {  	v29 =	vadd.f32 $0.0e+00, v18;
	v19 =	vmul.f32 v19, v0;
	v23 =	vcvt.f32.s32 v23;
	v45 =	vpop (erf)  }
0x157: {  	v30 =	vadd.f32 $0.0e+00, v17;
	v21 =	vmul.f32 v21, v0;
	v31 =	vpop (erf)  }
0x158: {  	v19 =	vmul.f32 $1.442695020e+00, v19;
	v29 =	vadd.f32 v28, v29;
	v32 =	vpop (erf)  }
0x159: {  	v21 =	vmul.f32 $1.442695020e+00, v21;
	v30 =	vadd.f32 v32, v30  }
0x15a: {  	v2 =	vld.idx.msk [tilespmem:v2+s4+$0x0], $0xffff;
	(erf) = vpow2.f32 v19;
	v46 =	vadd.f32 v8, v29  }
0x15b: {  	v22 =	vld.idx.msk [tilespmem:v22+s4+$0x0], $0xffff;
	(erf) = vpow2.f32 v21;
	v47 =	vadd.f32 v13, v30  }
0x15c: {  	v23 =	vld.idx.msk [tilespmem:v23+s4+$0x0], $0xffff;
	v19 =	vadd.f32 v44, v46;
	v48 =	vpop (erf)  }
0x15d: {  	v24 =	vcvt.f32.s32 v24;
	v20 =	vtrunc.f32 v20;
	v21 =	vadd.f32 v48, v47  }
0x15e: {  	v5 =	vtrunc.f32 v5;
	v3 =	vmul.f32 v8, v3;
	v19 =	vadd.f32 v43, v19;
	v49 =	vpop (erf)  }
0x15f: {  	v4 =	vld.idx.msk [tilespmem:v4+s4+$0x0], $0xffff;
	v20 =	vcvt.f32.s32 v20;
	v2 =	vmul.f32 v18, v2;
	v21 =	vadd.f32 v49, v21  }
0x160: {  	v5 =	vcvt.f32.s32 v5;
	v50 =	vmul.f32 v17, v22;
	v19 =	vadd.f32 v31, v19  }
0x161: {  	v16 =	vld.idx.msk [tilespmem:v16+s4+$0x0], $0xffff;
	v2 =	vadd.f32 $0.0e+00, v2;
	v51 =	vmul.f32 v28, v23;
	v21 =	vadd.f32 v27, v21  }
0x162: {  	v1 =	vld.idx.msk [tilespmem:v1+s4+$0x0], $0xffff;
	v17 =	vadd.f32 $0.0e+00, v50;
	v10 =	vmul.f32 v32, v10;
	v19 =	vadd.f32 v45, v19  }
0x163: {  	v11 =	vmul.f32 v43, v11;
	v2 =	vadd.f32 v51, v2;
	v52 =	vpop (erf);
	v21 =	vadd.f32 v6, v21  }
0x164: {  	v4 =	vmul.f32 v13, v4;
	v10 =	vadd.f32 v10, v17;
	v54 =	vpop (erf);
	v53 =	vadd.f32 v52, v19  }
0x165: {  	v9 =	vmul.f32 v44, v15;
	v56 =	vld.idx.msk [tilespmem:v20+s4+$0x0], $0xffff;
	v2 =	vadd.f32 v3, v2;
	v55 =	vadd.f32 v54, v21  }
0x166: {  	v60 =	vmul.f32 v31, v16;
	v4 =	vadd.f32 v4, v10;
	v3 =	vld.idx.msk [tilespmem:v24+s4+$0x0], $0xffff;
	v57 =	vadd.f32 $1.000000050e-03, v53  }
0x167: {  	v14 =	vld.idx.msk [tilespmem:v14+s4+$0x0], $0xffff;
	v1 =	vmul.f32 v48, v1;
	v2 =	vadd.f32 v9, v2;
	v58 =	vadd.f32 $1.000000050e-03, v55  }
0x168: {  	v5 =	vld.idx.msk [tilespmem:v5+s4+$0x0], $0xffff;
	v59 =	vmul.f32 v49, v12;
	(erf) = vrcp.f32 v57  }
0x169: {  	v1 =	vadd.f32 v1, v4;
	v2 =	vadd.f32 v11, v2;
	(erf) = vrcp.f32 v58  }
0x16a: {  	v61 =	vmul.f32 v27, v56  }
0x16b: {  	v1 =	vadd.f32 v59, v1;
	v3 =	vmul.f32 v45, v3;
	v2 =	vadd.f32 v60, v2  }
0x16c: {  	v62 =	vmul.f32 v6, v14  }
0x16d: {  	v1 =	vadd.f32 v61, v1;
	v2 =	vadd.f32 v3, v2;
	v3 =	vmul.f32 v54, v5  }
0x16e: {  	v63 =	vmul.f32 v52, v7  }
0x16f: {  	v1 =	vadd.f32 v62, v1  }
0x170: {  	v2 =	vadd.f32 v63, v2  }
0x171: {  	v1 =	vadd.f32 v3, v1;
	v3 =	vpop (erf)  }
0x172: {  	s0 =	smul.u32 $0x600, s12;
	v2 =	vmul.f32 v3, v2;
	v3 =	vpop (erf)  }
.Ltmp4:
0x173: {  	vm0 =	vgt.f32 v53, $0.0e+00;
	v1 =	vmul.f32 v3, v1;
	(pc) =	sbr.rel @p1 .LBB2_8-.Ltmp4, $4  }
0x174: {  	s0 =	sadd.s32 s13, s0;
	vm15 =	vgt.f32 v55, $0.0e+00;
	v2 =	vnsel vm0, $0x0, v2  }
0x175: {  	s0 =	sshrl.u32 s0, $0x3;
	[tilespmem:s17+$0x0] =	vst v2;
	v1 =	vnsel vm15, $0x0, v1  }
0x176: {  	s0 =	sadd.s32 s3, s0;
	[tilespmem:s11+$0x0] =	vst v1  }
0x177: {  	[hbm4b:s0+s26] =	stream.strided.scatter [tilespmem:s1], [sflag:$0x6], $0x300, s28, s26, $0x38;
	[tilespmem:$0x1ECB0] =	vst v63  }
0x178: {  	s0 =	sadd.s32 s7, s16  }
0x179: {  	s0 =	smul.u32 $0xC00, s0;
	_ =	sdelay $0x1  }
0x17a: {  	s0 =	sadd.s32 s6, s0  }
.Ltmp5:
0x17b: {  	s0 =	sshrl.u32 s0, $0x3;
	(pc) =	sbr.rel .LBB2_2-.Ltmp5, $4  }
0x17c: {  	s22 =	simm.s32 $0x19EA0;
	s0 =	sadd.s32 s2, s0  }
0x17d: {  	[tilespmem:s22], [sflag:$0x2] =	stream.linear.gather [hbm4b:s0+s4], $0x1800, $0x38;
	[tilespmem:$0x1ECB0] =	vst v63  }
0x17e: {  	s23 =	simm.s32 $0x1CEA0;
	s21 =	sadd.s32 $0x1, s21;
	s0 =	sadd.s32 $0x24000, s0  }
0x17f: {  	[tilespmem:s23], [sflag:$0x4] =	stream.linear.gather [hbm4b:s0+s4], $0x1800, $0x38;
	[tilespmem:$0x1ECB0] =	vst v63  }
.LBB2_9:
0x180: {  	_ =	sfence.sel $0x180000  }
0x181: {  	[bflag:$0x0] =	sbarrier.arrive $0xFFFF  }
0x182: {  	_ =	strace $0x90000047  }
0x183: {  	s0 =	stileid.u32;
	[bflag:$0x2] =	sbarrier.arrive $0xFFFF  }
0x184: {  	p0 =	sne.s32 s0, $0x0;
	s0 =	rddreg [dreg:$0x3]  }
0x185: {  	s0 =	sadd.s32 @!p0 $0x100000, s0  }
0x186: {  	[sflag:s0] =	ssyncadd.tile.s32 @!p0 $0x1;
	_ =	shalt  }
.Lfunc_end2:
_tile_overlayer_lowered:
.L_overlay_start_2:
0x187: {  	(tag) =	ssettag $0x2  }
0x188: {  	s0 =	rddreg [dreg:$0x0];
	s2 =	stileid.u32  }
0x189: {  	s1 =	rddreg [dreg:$0x1];
	p0 =	sne.s32 s2, $0x0  }
0x18a: {  	s3 =	rddreg [dreg:$0x2];
	[bflag:$0x3] =	sbarrier.arrive $0xFFFF;
	s2 =	simm.s32 @!p0 $0x1C07  }
0x18b: {  	[timem:s3], [sflag:s2] =	dma.local @!p0 [hbm:s0], s1  }
0x18c: {  	s0 =	simm.s32 @!p0 $0x7  }
0x18d: {  	_ =	swait.ge @!p0 [sflag:s0], s1  }
0x18e: {  	s1 =	ssub.s32 @!p0 $0x0, s1;
	[sflag:s0] =	ssyncset.done @!p0 $0x0  }
0x18f: {  	[sflag:s0] =	ssyncadd.s32 @!p0 s1  }
0x190: {  	[bflag:$0x3] =	sbarrier.arrive $0xFFFF  }
0x191: {  	_ =	shalt  }

</sc_bundles>
